<compile_context>
chip_gen: v7x
topology: tpu7x:2x2x1
jax: 0.10.2.dev20260603
libtpu: 0.0.44.dev20260713+nightly
codegen_flags: <defaults>
</compile_context>

<pallas_src>
import math

import jax
import jax.numpy as jnp
from jax import lax
from jax.experimental import pallas as pl


import functools
from jax.experimental.pallas import tpu as pltpu
from jax.experimental.pallas import tpu_sc as plsc


def _sc_gather(table, idx_padded, NP, D):
    info = plsc.get_sparse_core_info()
    NC, NS = info.num_cores, info.num_subcores
    NW = NC * NS
    bpw = NP // NW
    CH = 80
    nch = bpw // CH
    mesh = plsc.VectorSubcoreMesh(core_axis_name="c", subcore_axis_name="s")

    @functools.partial(
        pl.kernel, mesh=mesh,
        out_type=jax.ShapeDtypeStruct((NP, D), jnp.float32),
        scratch_types=[
            pltpu.VMEM((bpw,), jnp.int32),
            pltpu.VMEM((bpw, D), jnp.float32),
            pltpu.SemaphoreType.DMA,
        ],
    )
    def k(table_hbm, idx_hbm, out_hbm, idx_v, rows_v, sem):
        wid = lax.axis_index("s") * NC + lax.axis_index("c")
        base = wid * bpw
        pltpu.sync_copy(idx_hbm.at[pl.ds(base, bpw)], idx_v)
        for j in range(nch):
            pltpu.async_copy(
                table_hbm.at[idx_v.at[pl.ds(j * CH, CH)]],
                rows_v.at[pl.ds(j * CH, CH), :], sem).wait()
        pltpu.sync_copy(rows_v, out_hbm.at[pl.ds(base, bpw)])

    return k(table, idx_padded)

SCALE = 1.0 / 0.6


def _ssilu(x):
    return x * jax.nn.sigmoid(x) * SCALE


def _dot(a, b):
    return jnp.dot(a, b, preferred_element_type=jnp.float32)


def _dot_t(a, b):
    return lax.dot_general(a, b, (((0,), (0,)), ((), ())),
                           preferred_element_type=jnp.float32)


def _main_body(F, B, M,
               batch_ref, as_ref, gs_ref, av_ref, ef_ref, dir_ref, axs_ref, axv_ref,
               mpW1_ref, mpb1_ref, mpW2_ref, mpb2_ref, rW_ref, rb_ref,
               sW1_ref, sb1_ref, sW2_ref, sb2_ref, vW_ref,
               nas_ref, nav_ref, ps_ref, pv_ref, cnt_ref):
    i = pl.program_id(0)
    inv3 = 1.0 / math.sqrt(3.0)
    invh = 1.0 / math.sqrt(F)

    @pl.when(i == 0)
    def _init():
        ps_ref[...] = jnp.zeros_like(ps_ref)
        pv_ref[...] = jnp.zeros_like(pv_ref)
        cnt_ref[...] = jnp.zeros_like(cnt_ref)

    as_ = as_ref[...]
    h = _ssilu(_dot(as_, mpW1_ref[...]) + mpb1_ref[...])
    ap = _dot(h, mpW2_ref[...]) + mpb2_ref[...]
    ep = _dot(ef_ref[...], rW_ref[...]) + rb_ref[...]
    m = ap * ep * inv3
    m1 = m[:, :F]
    m2 = m[:, F:2 * F]
    as2 = m[:, 2 * F:] + as_

    bidx = batch_ref[0, 0, :]
    oh = (bidx[:, None] == lax.broadcasted_iota(jnp.int32, (M, B), 1)
          ).astype(jnp.float32)

    gs = gs_ref[...]
    t = _ssilu(_dot(as2, sW1_ref[:F]) + _dot(gs, sW1_ref[F:]) + sb1_ref[...])
    nas = _ssilu(_dot(t, sW2_ref[...]) + sb2_ref[...]) + as2
    nas_ref[...] = nas
    ps_ref[...] += _dot_t(oh, nas)
    cnt_ref[...] += _dot_t(oh, jnp.ones((M, 128), jnp.float32))

    vW = vW_ref[...]
    for a in range(3):
        av_a = av_ref[:, a, :]
        av2_a = (m1 * av_a + m2 * dir_ref[:, a:a + 1]) * invh
        gv_a = _dot(oh, axv_ref[:, a, :])
        nv_a = _dot(av2_a + gv_a, vW) + av2_a
        nav_ref[:, a, :] = nv_a
        pv_ref[a] += _dot_t(oh, nv_a)


def _tail_body(F, B,
               ps_ref, pv_ref, cnt_ref, axs_ref, axv_ref,
               aW1_ref, ab1_ref, aW2_ref, ab2_ref, tvW_ref,
               svW_ref, ssW1_ref, ssb1_ref, ssW2_ref, ssb2_ref, ldw_ref,
               outs_ref, outv_ref, outd_ref):
    r = 1.0 / jnp.maximum(cnt_ref[...], 1.0)
    rF = jnp.broadcast_to(r[:, 0:1], (B, F))
    axs = axs_ref[...]

    pooled_s = ps_ref[...] * rF
    t = _ssilu(_dot(pooled_s, aW1_ref[:F]) + _dot(axs, aW1_ref[F:])
               + ab1_ref[...])
    ds = _ssilu(_dot(t, aW2_ref[...]) + ab2_ref[...])
    ass = axs + ds
    outs_parts = []
    v1 = []
    v2 = []
    avs = []
    tvW = tvW_ref[...]
    svW = svW_ref[...]
    for a in range(3):
        axv_a = axv_ref[:, a, :]
        pooled_v_a = pv_ref[a] * rF
        avs_a = axv_a + _dot(pooled_v_a + axv_a, tvW)
        avs.append(avs_a)
        w12 = _dot(avs_a, svW)
        v1.append(w12[:, :F])
        v2.append(w12[:, F:])
    vnorm = jnp.sqrt(v2[0] * v2[0] + v2[1] * v2[1] + v2[2] * v2[2] + 1e-8)
    sh = _dot(_ssilu(_dot(ass, ssW1_ref[:F]) + _dot(vnorm, ssW1_ref[F:])
                     + ssb1_ref[...]), ssW2_ref[...]) + ssb2_ref[...]
    s1 = sh[:, :F]
    s2 = sh[:, F:2 * F]
    gate = jnp.tanh(sh[:, 2 * F:])
    outs_ref[...] = s2 + ass * gate
    ldw = ldw_ref[...]
    deltas = []
    for a in range(3):
        ov_a = s1 * v1[a] + avs[a]
        outv_ref[:, a, :] = ov_a
        deltas.append(jnp.sum(ov_a * ldw, axis=1, keepdims=True))
    outd_ref[...] = jnp.concatenate(deltas, axis=1)


def kernel(atom_scalar, axis_scalar_state, atom_vector, axis_vector_state,
           axis_edge_feat, axis_edge_dir, batch, params):
    N, F = atom_scalar.shape
    B = axis_scalar_state.shape[0]
    R = axis_edge_feat.shape[1]
    p = params

    M = 1000
    assert N % M == 0
    nblk = N // M
    batch3 = batch.reshape(nblk, 1, M)

    row = lambda b: b.reshape(1, -1)
    import functools
    main = pl.pallas_call(
        functools.partial(_main_body, F, B, M),
        grid=(nblk,),
        in_specs=[
            pl.BlockSpec((1, 1, M), lambda i: (i, 0, 0)),
            pl.BlockSpec((M, F), lambda i: (i, 0)),
            pl.BlockSpec((M, F), lambda i: (i, 0)),
            pl.BlockSpec((M, 3, F), lambda i: (i, 0, 0)),
            pl.BlockSpec((M, R), lambda i: (i, 0)),
            pl.BlockSpec((M, 3), lambda i: (i, 0)),
            pl.BlockSpec((B, F), lambda i: (0, 0)),
            pl.BlockSpec((B, 3, F), lambda i: (0, 0, 0)),
            pl.BlockSpec((F, F), lambda i: (0, 0)),
            pl.BlockSpec((1, F), lambda i: (0, 0)),
            pl.BlockSpec((F, 3 * F), lambda i: (0, 0)),
            pl.BlockSpec((1, 3 * F), lambda i: (0, 0)),
            pl.BlockSpec((R, 3 * F), lambda i: (0, 0)),
            pl.BlockSpec((1, 3 * F), lambda i: (0, 0)),
            pl.BlockSpec((2 * F, F), lambda i: (0, 0)),
            pl.BlockSpec((1, F), lambda i: (0, 0)),
            pl.BlockSpec((F, F), lambda i: (0, 0)),
            pl.BlockSpec((1, F), lambda i: (0, 0)),
            pl.BlockSpec((F, F), lambda i: (0, 0)),
        ],
        out_specs=[
            pl.BlockSpec((M, F), lambda i: (i, 0)),
            pl.BlockSpec((M, 3, F), lambda i: (i, 0, 0)),
            pl.BlockSpec((B, F), lambda i: (0, 0)),
            pl.BlockSpec((3, B, F), lambda i: (0, 0, 0)),
            pl.BlockSpec((B, 128), lambda i: (0, 0)),
        ],
        out_shape=[
            jax.ShapeDtypeStruct((N, F), jnp.float32),
            jax.ShapeDtypeStruct((N, 3, F), jnp.float32),
            jax.ShapeDtypeStruct((B, F), jnp.float32),
            jax.ShapeDtypeStruct((3, B, F), jnp.float32),
            jax.ShapeDtypeStruct((B, 128), jnp.float32),
        ],
    )
    NP = ((N + 2559) // 2560) * 2560
    idx_padded = jnp.concatenate(
        [batch, jnp.zeros((NP - N,), jnp.int32)]) if NP != N else batch
    gs_full = _sc_gather(axis_scalar_state, idx_padded, NP, F)

    nas, nav, ps, pv, cnt = main(
        batch3, atom_scalar, gs_full, atom_vector, axis_edge_feat, axis_edge_dir,
        axis_scalar_state, axis_vector_state,
        p['mp_W1'], row(p['mp_b1']), p['mp_W2'], row(p['mp_b2']),
        p['rbf_W'], row(p['rbf_b']),
        p['a2a_s_W1'], row(p['a2a_s_b1']), p['a2a_s_W2'], row(p['a2a_s_b2']),
        p['a2a_v_W'])

    tail = pl.pallas_call(
        functools.partial(_tail_body, F, B),
        out_shape=[
            jax.ShapeDtypeStruct((B, F), jnp.float32),
            jax.ShapeDtypeStruct((B, 3, F), jnp.float32),
            jax.ShapeDtypeStruct((B, 3), jnp.float32),
        ],
    )
    outs, outv, outd = tail(
        ps, pv, cnt, axis_scalar_state, axis_vector_state,
        p['ats_W1'], row(p['ats_b1']), p['ats_W2'], row(p['ats_b2']),
        p['atv_W'], p['sv_W'],
        p['ss_W1'], row(p['ss_b1']), p['ss_W2'], row(p['ss_b2']),
        p['ld_W'].reshape(1, F))

    return nas, nav, outs, outv, outd[:, :, None]

# --- scband reference (transcript-rebuilt; emitter-appended) ---
"""Pipeline reference for scband-lattice-axis-block-58007828300075 (READ-ONLY COPY).

The authoritative reference and input builder live on the scoring server;
editing this copy changes nothing except your own understanding.
"""

import math
import jax, jax.numpy as jnp
import numpy as np

SCALE = 1.0 / 0.6
N, B, F, R = 10000, 128, 256, 64

def scaled_silu(x):
    return jax.nn.silu(x) * SCALE

def two_mlp(x, W1, b1, W2, b2):
    return scaled_silu(scaled_silu(x @ W1 + b1) @ W2 + b2)

def setup_inputs(seed: int = 0):
    key = jax.random.key(seed)
    ks = jax.random.split(key, 24)
    def lin(k, fan_in, shape):
        return (jax.random.normal(k, shape, dtype=jnp.float32) / np.sqrt(fan_in)).astype(jnp.float32)
    inp = {}
    inp['atom_scalar'] = jax.random.normal(ks[0], (N, F), dtype=jnp.float32)
    inp['axis_scalar_state'] = jax.random.normal(ks[1], (B, F), dtype=jnp.float32)
    inp['atom_vector'] = jax.random.normal(ks[2], (N, 3, F), dtype=jnp.float32)
    inp['axis_vector_state'] = jax.random.normal(ks[3], (B, 3, F), dtype=jnp.float32)
    inp['axis_edge_feat'] = jax.random.uniform(ks[4], (N, R), dtype=jnp.float32)
    inp['axis_edge_dir'] = jax.random.normal(ks[5], (N, 3), dtype=jnp.float32)
    inp['batch'] = jnp.sort(jax.random.randint(ks[6], (N,), 0, B, dtype=jnp.int32))
    p = {}
    p['mp_W1'] = lin(ks[7], F, (F, F)); p['mp_b1'] = jnp.zeros((F,), jnp.float32)
    p['mp_W2'] = lin(ks[8], F, (F, 3 * F)); p['mp_b2'] = jnp.zeros((3 * F,), jnp.float32)
    p['rbf_W'] = lin(ks[9], R, (R, 3 * F)); p['rbf_b'] = jnp.zeros((3 * F,), jnp.float32)
    p['a2a_s_W1'] = lin(ks[10], 2 * F, (2 * F, F)); p['a2a_s_b1'] = jnp.zeros((F,), jnp.float32)
    p['a2a_s_W2'] = lin(ks[11], F, (F, F)); p['a2a_s_b2'] = jnp.zeros((F,), jnp.float32)
    p['a2a_v_W'] = lin(ks[12], F, (F, F))
    p['ats_W1'] = lin(ks[13], 2 * F, (2 * F, F)); p['ats_b1'] = jnp.zeros((F,), jnp.float32)
    p['ats_W2'] = lin(ks[14], F, (F, F)); p['ats_b2'] = jnp.zeros((F,), jnp.float32)
    p['atv_W'] = lin(ks[15], F, (F, F))
    p['sv_W'] = lin(ks[16], F, (F, 2 * F))
    p['ss_W1'] = lin(ks[17], 2 * F, (2 * F, F)); p['ss_b1'] = jnp.zeros((F,), jnp.float32)
    p['ss_W2'] = lin(ks[18], F, (F, 3 * F)); p['ss_b2'] = jnp.zeros((3 * F,), jnp.float32)
    p['ld_W'] = lin(ks[19], F, (F, 1))
    inp['params'] = p
    return inp

def _forward(atom_scalar, axis_scalar_state, atom_vector, axis_vector_state, axis_edge_feat, axis_edge_dir, batch, p):
    Fd = atom_scalar.shape[-1]
    inv_sqrt_3 = 1.0 / math.sqrt(3.0)
    inv_sqrt_h = 1.0 / math.sqrt(Fd)
    # distribute_to_atoms
    h = scaled_silu(atom_scalar @ p['mp_W1'] + p['mp_b1'])
    atom_proj = h @ p['mp_W2'] + p['mp_b2']
    edge_proj = axis_edge_feat @ p['rbf_W'] + p['rbf_b']
    m1, m2, m3 = jnp.split(atom_proj * edge_proj * inv_sqrt_3, 3, axis=-1)
    atom_scalar = m3 + atom_scalar
    atom_vector = m1[:, None, :] * atom_vector + m2[:, None, :] * axis_edge_dir[:, :, None]
    atom_vector = atom_vector * inv_sqrt_h
    axis_scalar_b = axis_scalar_state[batch]
    axis_vector_b = axis_vector_state[batch]
    new_atom_scalar = two_mlp(jnp.concatenate([atom_scalar, axis_scalar_b], axis=-1), p['a2a_s_W1'], p['a2a_s_b1'], p['a2a_s_W2'], p['a2a_s_b2']) + atom_scalar
    new_atom_vector = (atom_vector + axis_vector_b) @ p['a2a_v_W'] + atom_vector
    # collect_from_atoms
    nseg = axis_scalar_state.shape[0]
    counts = jnp.maximum(jax.ops.segment_sum(jnp.ones((new_atom_scalar.shape[0],), jnp.float32), batch, num_segments=nseg), 1.0)
    pooled_scalar = jax.ops.segment_sum(new_atom_scalar, batch, num_segments=nseg) / counts[:, None]
    pooled_vector = jax.ops.segment_sum(new_atom_vector, batch, num_segments=nseg) / counts[:, None, None]
    delta_scalar = two_mlp(jnp.concatenate([pooled_scalar, axis_scalar_state], axis=-1), p['ats_W1'], p['ats_b1'], p['ats_W2'], p['ats_b2'])
    delta_vector = (pooled_vector + axis_vector_state) @ p['atv_W']
    axis_scalar_state = axis_scalar_state + delta_scalar
    axis_vector_state = axis_vector_state + delta_vector
    v1, v2 = jnp.split(axis_vector_state @ p['sv_W'], 2, axis=-1)
    vnorm = jnp.sqrt(jnp.sum(v2 ** 2, axis=-2) + 1e-08)
    sh = scaled_silu(jnp.concatenate([axis_scalar_state, vnorm], axis=-1) @ p['ss_W1'] + p['ss_b1']) @ p['ss_W2'] + p['ss_b2']
    s1, s2, s3 = jnp.split(sh, 3, axis=-1)
    gate = jnp.tanh(s3)
    axis_scalar_state = s2 + axis_scalar_state * gate
    axis_vector_state = s1[:, None, :] * v1 + axis_vector_state
    delta = axis_vector_state @ p['ld_W']
    return new_atom_scalar, new_atom_vector, axis_scalar_state, axis_vector_state, delta

def reference(atom_scalar, axis_scalar_state, atom_vector, axis_vector_state, axis_edge_feat, axis_edge_dir, batch, params):
    return _forward(atom_scalar, axis_scalar_state, atom_vector, axis_vector_state, axis_edge_feat, axis_edge_dir, batch, params)

if __name__ == "__main__":
    import jax
    _d = setup_inputs()
    print(jax.jit(kernel)(*tuple(_d.values())))

</pallas_src>

<mosaic_0001>
#map = affine_map<(d0, d1) -> (0, 0)>
#map1 = affine_map<(d0, d1) -> (0)>
module attributes {stable_mosaic.version = 14 : i64} {
  func.func @k(%arg0: i32, %arg1: i32, %arg2: memref<128x256xf32, #tpu.memory_space<hbm>>, %arg3: memref<10240xi32, #tpu.memory_space<hbm>>, %arg4: memref<10240x256xf32, #tpu.memory_space<hbm>>, %arg5: memref<320xi32, #tpu.memory_space<vmem>>, %arg6: memref<320x256xf32, #tpu.memory_space<vmem>>, %arg7: memref<!tpu.dma_semaphore, #tpu.memory_space<semaphore_mem>>) attributes {dimension_semantics = [#tpu.dimension_semantics<core_parallel>, #tpu.dimension_semantics<subcore_parallel>], iteration_bounds = array<i64: 2, 16>, scalar_prefetch = 0 : i64, scratch_operands = 3 : i64, tpu.core_type = #tpu.core_type<sc_vector_subcore>, window_params = [{transform_indices = #map}, {transform_indices = #map1}, {transform_indices = #map}]} {
    %mul3A = arith.constant 2 : i32
    %mul3A_0 = arith.muli %arg1, %mul3A : i32
    %add3A = arith.addi %mul3A_0, %arg0 : i32
    %mul3A_1 = arith.constant 320 : i32
    %mul3A_2 = arith.muli %add3A, %mul3A_1 : i32
    "tpu.region"() ({
      %run_scoped3A = tpu.sem_alloc : memref<!tpu.dma_semaphore, #tpu.memory_space<semaphore_mem>>
      %dma_start3A_65 = tpu.memref_slice %arg3[%mul3A_2] : memref<10240xi32, #tpu.memory_space<hbm>> -> memref<320xi32, #tpu.memory_space<hbm>>
      %dma_start3A_66 = tpu.memref_slice %arg3[%mul3A_2] : memref<10240xi32, #tpu.memory_space<hbm>> -> memref<320xi32, #tpu.memory_space<hbm>>
      tpu.enqueue_dma source(%dma_start3A_66 : memref<320xi32, #tpu.memory_space<hbm>>) target(%arg5 : memref<320xi32, #tpu.memory_space<vmem>>) target_semaphore(%run_scoped3A : memref<!tpu.dma_semaphore, #tpu.memory_space<semaphore_mem>>)
      %dma_wait3A_67 = tpu.memref_slice %arg3[%mul3A_2] : memref<10240xi32, #tpu.memory_space<hbm>> -> memref<320xi32, #tpu.memory_space<hbm>>
      %dma_wait3A_68 = tpu.memref_slice %arg3[%mul3A_2] : memref<10240xi32, #tpu.memory_space<hbm>> -> memref<320xi32, #tpu.memory_space<hbm>>
      tpu.wait_dma2 semaphore(%run_scoped3A : memref<!tpu.dma_semaphore, #tpu.memory_space<semaphore_mem>>) src(%dma_wait3A_68 : memref<320xi32, #tpu.memory_space<hbm>>) dst(%arg5 : memref<320xi32, #tpu.memory_space<vmem>>)
      tpu.yield
    }) : () -> ()
    %dma_start3A = arith.constant 0 : i32
    %dma_start3A_3 = arith.constant 0 : i32
    %dma_start3A_4 = tpu.memref_slice %arg6[%dma_start3A, %dma_start3A_3] : memref<320x256xf32, #tpu.memory_space<vmem>> -> memref<80x256xf32, #tpu.memory_space<vmem>>
    %dma_start3A_5 = arith.constant 0 : i32
    %dma_start3A_6 = tpu.memref_slice %arg5[%dma_start3A_5] : memref<320xi32, #tpu.memory_space<vmem>> -> memref<80xi32, #tpu.memory_space<vmem>>
    %dma_start3A_7 = arith.constant 0 : i32
    %dma_start3A_8 = arith.constant 0 : i32
    %dma_start3A_9 = tpu.memref_slice %arg2[%dma_start3A_7, %dma_start3A_8] : memref<128x256xf32, #tpu.memory_space<hbm>> -> memref<128x256xf32, #tpu.memory_space<hbm>>
    tpu.enqueue_indirect_dma source(%dma_start3A_9 : memref<128x256xf32, #tpu.memory_space<hbm>>) target(%dma_start3A_4 : memref<80x256xf32, #tpu.memory_space<vmem>>) offsets(%dma_start3A_6 : memref<80xi32, #tpu.memory_space<vmem>>) semaphore(%arg7 : memref<!tpu.dma_semaphore, #tpu.memory_space<semaphore_mem>>)
    %dma_wait3A = arith.constant 0 : i32
    %dma_wait3A_10 = arith.constant 0 : i32
    %dma_wait3A_11 = tpu.memref_slice %arg6[%dma_wait3A, %dma_wait3A_10] : memref<320x256xf32, #tpu.memory_space<vmem>> -> memref<80x256xf32, #tpu.memory_space<vmem>>
    %dma_wait3A_12 = arith.constant 0 : i32
    %dma_wait3A_13 = tpu.memref_slice %arg5[%dma_wait3A_12] : memref<320xi32, #tpu.memory_space<vmem>> -> memref<80xi32, #tpu.memory_space<vmem>>
    %dma_wait3A_14 = arith.constant 0 : i32
    %dma_wait3A_15 = arith.constant 0 : i32
    %dma_wait3A_16 = tpu.memref_slice %arg2[%dma_wait3A_14, %dma_wait3A_15] : memref<128x256xf32, #tpu.memory_space<hbm>> -> memref<128x256xf32, #tpu.memory_space<hbm>>
    tpu.wait_indirect_dma semaphore(%arg7 : memref<!tpu.dma_semaphore, #tpu.memory_space<semaphore_mem>>) src(%dma_wait3A_16 : memref<128x256xf32, #tpu.memory_space<hbm>>) dst(%dma_wait3A_11 : memref<80x256xf32, #tpu.memory_space<vmem>>)
    %dma_start3A_17 = arith.constant 80 : i32
    %dma_start3A_18 = arith.constant 0 : i32
    %dma_start3A_19 = tpu.memref_slice %arg6[%dma_start3A_17, %dma_start3A_18] : memref<320x256xf32, #tpu.memory_space<vmem>> -> memref<80x256xf32, #tpu.memory_space<vmem>>
    %dma_start3A_20 = arith.constant 80 : i32
    %dma_start3A_21 = tpu.memref_slice %arg5[%dma_start3A_20] : memref<320xi32, #tpu.memory_space<vmem>> -> memref<80xi32, #tpu.memory_space<vmem>>
    %dma_start3A_22 = arith.constant 0 : i32
    %dma_start3A_23 = arith.constant 0 : i32
    %dma_start3A_24 = tpu.memref_slice %arg2[%dma_start3A_22, %dma_start3A_23] : memref<128x256xf32, #tpu.memory_space<hbm>> -> memref<128x256xf32, #tpu.memory_space<hbm>>
    tpu.enqueue_indirect_dma source(%dma_start3A_24 : memref<128x256xf32, #tpu.memory_space<hbm>>) target(%dma_start3A_19 : memref<80x256xf32, #tpu.memory_space<vmem>>) offsets(%dma_start3A_21 : memref<80xi32, #tpu.memory_space<vmem>>) semaphore(%arg7 : memref<!tpu.dma_semaphore, #tpu.memory_space<semaphore_mem>>)
    %dma_wait3A_25 = arith.constant 80 : i32
    %dma_wait3A_26 = arith.constant 0 : i32
    %dma_wait3A_27 = tpu.memref_slice %arg6[%dma_wait3A_25, %dma_wait3A_26] : memref<320x256xf32, #tpu.memory_space<vmem>> -> memref<80x256xf32, #tpu.memory_space<vmem>>
    %dma_wait3A_28 = arith.constant 80 : i32
    %dma_wait3A_29 = tpu.memref_slice %arg5[%dma_wait3A_28] : memref<320xi32, #tpu.memory_space<vmem>> -> memref<80xi32, #tpu.memory_space<vmem>>
    %dma_wait3A_30 = arith.constant 0 : i32
    %dma_wait3A_31 = arith.constant 0 : i32
    %dma_wait3A_32 = tpu.memref_slice %arg2[%dma_wait3A_30, %dma_wait3A_31] : memref<128x256xf32, #tpu.memory_space<hbm>> -> memref<128x256xf32, #tpu.memory_space<hbm>>
    tpu.wait_indirect_dma semaphore(%arg7 : memref<!tpu.dma_semaphore, #tpu.memory_space<semaphore_mem>>) src(%dma_wait3A_32 : memref<128x256xf32, #tpu.memory_space<hbm>>) dst(%dma_wait3A_27 : memref<80x256xf32, #tpu.memory_space<vmem>>)
    %dma_start3A_33 = arith.constant 160 : i32
    %dma_start3A_34 = arith.constant 0 : i32
    %dma_start3A_35 = tpu.memref_slice %arg6[%dma_start3A_33, %dma_start3A_34] : memref<320x256xf32, #tpu.memory_space<vmem>> -> memref<80x256xf32, #tpu.memory_space<vmem>>
    %dma_start3A_36 = arith.constant 160 : i32
    %dma_start3A_37 = tpu.memref_slice %arg5[%dma_start3A_36] : memref<320xi32, #tpu.memory_space<vmem>> -> memref<80xi32, #tpu.memory_space<vmem>>
    %dma_start3A_38 = arith.constant 0 : i32
    %dma_start3A_39 = arith.constant 0 : i32
    %dma_start3A_40 = tpu.memref_slice %arg2[%dma_start3A_38, %dma_start3A_39] : memref<128x256xf32, #tpu.memory_space<hbm>> -> memref<128x256xf32, #tpu.memory_space<hbm>>
    tpu.enqueue_indirect_dma source(%dma_start3A_40 : memref<128x256xf32, #tpu.memory_space<hbm>>) target(%dma_start3A_35 : memref<80x256xf32, #tpu.memory_space<vmem>>) offsets(%dma_start3A_37 : memref<80xi32, #tpu.memory_space<vmem>>) semaphore(%arg7 : memref<!tpu.dma_semaphore, #tpu.memory_space<semaphore_mem>>)
    %dma_wait3A_41 = arith.constant 160 : i32
    %dma_wait3A_42 = arith.constant 0 : i32
    %dma_wait3A_43 = tpu.memref_slice %arg6[%dma_wait3A_41, %dma_wait3A_42] : memref<320x256xf32, #tpu.memory_space<vmem>> -> memref<80x256xf32, #tpu.memory_space<vmem>>
    %dma_wait3A_44 = arith.constant 160 : i32
    %dma_wait3A_45 = tpu.memref_slice %arg5[%dma_wait3A_44] : memref<320xi32, #tpu.memory_space<vmem>> -> memref<80xi32, #tpu.memory_space<vmem>>
    %dma_wait3A_46 = arith.constant 0 : i32
    %dma_wait3A_47 = arith.constant 0 : i32
    %dma_wait3A_48 = tpu.memref_slice %arg2[%dma_wait3A_46, %dma_wait3A_47] : memref<128x256xf32, #tpu.memory_space<hbm>> -> memref<128x256xf32, #tpu.memory_space<hbm>>
    tpu.wait_indirect_dma semaphore(%arg7 : memref<!tpu.dma_semaphore, #tpu.memory_space<semaphore_mem>>) src(%dma_wait3A_48 : memref<128x256xf32, #tpu.memory_space<hbm>>) dst(%dma_wait3A_43 : memref<80x256xf32, #tpu.memory_space<vmem>>)
    %dma_start3A_49 = arith.constant 240 : i32
    %dma_start3A_50 = arith.constant 0 : i32
    %dma_start3A_51 = tpu.memref_slice %arg6[%dma_start3A_49, %dma_start3A_50] : memref<320x256xf32, #tpu.memory_space<vmem>> -> memref<80x256xf32, #tpu.memory_space<vmem>>
    %dma_start3A_52 = arith.constant 240 : i32
    %dma_start3A_53 = tpu.memref_slice %arg5[%dma_start3A_52] : memref<320xi32, #tpu.memory_space<vmem>> -> memref<80xi32, #tpu.memory_space<vmem>>
    %dma_start3A_54 = arith.constant 0 : i32
    %dma_start3A_55 = arith.constant 0 : i32
    %dma_start3A_56 = tpu.memref_slice %arg2[%dma_start3A_54, %dma_start3A_55] : memref<128x256xf32, #tpu.memory_space<hbm>> -> memref<128x256xf32, #tpu.memory_space<hbm>>
    tpu.enqueue_indirect_dma source(%dma_start3A_56 : memref<128x256xf32, #tpu.memory_space<hbm>>) target(%dma_start3A_51 : memref<80x256xf32, #tpu.memory_space<vmem>>) offsets(%dma_start3A_53 : memref<80xi32, #tpu.memory_space<vmem>>) semaphore(%arg7 : memref<!tpu.dma_semaphore, #tpu.memory_space<semaphore_mem>>)
    %dma_wait3A_57 = arith.constant 240 : i32
    %dma_wait3A_58 = arith.constant 0 : i32
    %dma_wait3A_59 = tpu.memref_slice %arg6[%dma_wait3A_57, %dma_wait3A_58] : memref<320x256xf32, #tpu.memory_space<vmem>> -> memref<80x256xf32, #tpu.memory_space<vmem>>
    %dma_wait3A_60 = arith.constant 240 : i32
    %dma_wait3A_61 = tpu.memref_slice %arg5[%dma_wait3A_60] : memref<320xi32, #tpu.memory_space<vmem>> -> memref<80xi32, #tpu.memory_space<vmem>>
    %dma_wait3A_62 = arith.constant 0 : i32
    %dma_wait3A_63 = arith.constant 0 : i32
    %dma_wait3A_64 = tpu.memref_slice %arg2[%dma_wait3A_62, %dma_wait3A_63] : memref<128x256xf32, #tpu.memory_space<hbm>> -> memref<128x256xf32, #tpu.memory_space<hbm>>
    tpu.wait_indirect_dma semaphore(%arg7 : memref<!tpu.dma_semaphore, #tpu.memory_space<semaphore_mem>>) src(%dma_wait3A_64 : memref<128x256xf32, #tpu.memory_space<hbm>>) dst(%dma_wait3A_59 : memref<80x256xf32, #tpu.memory_space<vmem>>)
    "tpu.region"() ({
      %run_scoped3A = tpu.sem_alloc : memref<!tpu.dma_semaphore, #tpu.memory_space<semaphore_mem>>
      %dma_start3A_65 = arith.constant 0 : i32
      %dma_start3A_66 = tpu.memref_slice %arg4[%mul3A_2, %dma_start3A_65] : memref<10240x256xf32, #tpu.memory_space<hbm>> -> memref<320x256xf32, #tpu.memory_space<hbm>>
      %dma_start3A_67 = arith.constant 0 : i32
      %dma_start3A_68 = tpu.memref_slice %arg4[%mul3A_2, %dma_start3A_67] : memref<10240x256xf32, #tpu.memory_space<hbm>> -> memref<320x256xf32, #tpu.memory_space<hbm>>
      tpu.enqueue_dma source(%arg6 : memref<320x256xf32, #tpu.memory_space<vmem>>) target(%dma_start3A_68 : memref<320x256xf32, #tpu.memory_space<hbm>>) target_semaphore(%run_scoped3A : memref<!tpu.dma_semaphore, #tpu.memory_space<semaphore_mem>>)
      %dma_wait3A_69 = arith.constant 0 : i32
      %dma_wait3A_70 = tpu.memref_slice %arg4[%mul3A_2, %dma_wait3A_69] : memref<10240x256xf32, #tpu.memory_space<hbm>> -> memref<320x256xf32, #tpu.memory_space<hbm>>
      %dma_wait3A_71 = arith.constant 0 : i32
      %dma_wait3A_72 = tpu.memref_slice %arg4[%mul3A_2, %dma_wait3A_71] : memref<10240x256xf32, #tpu.memory_space<hbm>> -> memref<320x256xf32, #tpu.memory_space<hbm>>
      tpu.wait_dma2 semaphore(%run_scoped3A : memref<!tpu.dma_semaphore, #tpu.memory_space<semaphore_mem>>) src(%arg6 : memref<320x256xf32, #tpu.memory_space<vmem>>) dst(%dma_wait3A_72 : memref<320x256xf32, #tpu.memory_space<hbm>>)
      tpu.yield
    }) : () -> ()
    return
  }
}

module attributes {stable_mosaic.version = 14 : i64} {
  func.func @_main_body(%arg0: i32, %arg1: memref<1x1x1000xi32, #tpu.memory_space<vmem>>, %arg2: memref<1000x256xf32, #tpu.memory_space<vmem>>, %arg3: memref<1000x256xf32, #tpu.memory_space<vmem>>, %arg4: memref<1000x3x256xf32, #tpu.memory_space<vmem>>, %arg5: memref<1000x64xf32, #tpu.memory_space<vmem>>, %arg6: memref<1000x3xf32, #tpu.memory_space<vmem>>, %arg7: memref<128x256xf32, #tpu.memory_space<vmem>>, %arg8: memref<128x3x256xf32, #tpu.memory_space<vmem>>, %arg9: memref<256x256xf32, #tpu.memory_space<vmem>>, %arg10: memref<1x256xf32, #tpu.memory_space<vmem>>, %arg11: memref<256x768xf32, #tpu.memory_space<vmem>>, %arg12: memref<1x768xf32, #tpu.memory_space<vmem>>, %arg13: memref<64x768xf32, #tpu.memory_space<vmem>>, %arg14: memref<1x768xf32, #tpu.memory_space<vmem>>, %arg15: memref<512x256xf32, #tpu.memory_space<vmem>>, %arg16: memref<1x256xf32, #tpu.memory_space<vmem>>, %arg17: memref<256x256xf32, #tpu.memory_space<vmem>>, %arg18: memref<1x256xf32, #tpu.memory_space<vmem>>, %arg19: memref<256x256xf32, #tpu.memory_space<vmem>>, %arg20: memref<1000x256xf32, #tpu.memory_space<vmem>>, %arg21: memref<1000x3x256xf32, #tpu.memory_space<vmem>>, %arg22: memref<128x256xf32, #tpu.memory_space<vmem>>, %arg23: memref<3x128x256xf32, #tpu.memory_space<vmem>>, %arg24: memref<128x128xf32, #tpu.memory_space<vmem>>) attributes {dimension_semantics = [#tpu.dimension_semantics<arbitrary>], iteration_bounds = array<i64: 10>, scalar_prefetch = 0 : i64, scratch_operands = 0 : i64, tpu.core_type = #tpu.core_type<tc>, window_params = [{transform_indices = @transform_0, window_bounds = array<i64: 1, 1, 1000>}, {transform_indices = @transform_1, window_bounds = array<i64: 1000, 256>}, {transform_indices = @transform_2, window_bounds = array<i64: 1000, 256>}, {transform_indices = @transform_3, window_bounds = array<i64: 1000, 3, 256>}, {transform_indices = @transform_4, window_bounds = array<i64: 1000, 64>}, {transform_indices = @transform_5, window_bounds = array<i64: 1000, 3>}, {pipeline_mode = #tpu.pipeline_mode<synchronous>, transform_indices = @transform_6, window_bounds = array<i64: 128, 256>}, {pipeline_mode = #tpu.pipeline_mode<synchronous>, transform_indices = @transform_7, window_bounds = array<i64: 128, 3, 256>}, {pipeline_mode = #tpu.pipeline_mode<synchronous>, transform_indices = @transform_8, window_bounds = array<i64: 256, 256>}, {pipeline_mode = #tpu.pipeline_mode<synchronous>, transform_indices = @transform_9, window_bounds = array<i64: 1, 256>}, {pipeline_mode = #tpu.pipeline_mode<synchronous>, transform_indices = @transform_10, window_bounds = array<i64: 256, 768>}, {pipeline_mode = #tpu.pipeline_mode<synchronous>, transform_indices = @transform_11, window_bounds = array<i64: 1, 768>}, {pipeline_mode = #tpu.pipeline_mode<synchronous>, transform_indices = @transform_12, window_bounds = array<i64: 64, 768>}, {pipeline_mode = #tpu.pipeline_mode<synchronous>, transform_indices = @transform_13, window_bounds = array<i64: 1, 768>}, {pipeline_mode = #tpu.pipeline_mode<synchronous>, transform_indices = @transform_14, window_bounds = array<i64: 512, 256>}, {pipeline_mode = #tpu.pipeline_mode<synchronous>, transform_indices = @transform_15, window_bounds = array<i64: 1, 256>}, {pipeline_mode = #tpu.pipeline_mode<synchronous>, transform_indices = @transform_16, window_bounds = array<i64: 256, 256>}, {pipeline_mode = #tpu.pipeline_mode<synchronous>, transform_indices = @transform_17, window_bounds = array<i64: 1, 256>}, {pipeline_mode = #tpu.pipeline_mode<synchronous>, transform_indices = @transform_18, window_bounds = array<i64: 256, 256>}, {transform_indices = @transform_19, window_bounds = array<i64: 1000, 256>}, {transform_indices = @transform_20, window_bounds = array<i64: 1000, 3, 256>}, {pipeline_mode = #tpu.pipeline_mode<synchronous>, transform_indices = @transform_21, window_bounds = array<i64: 128, 256>}, {pipeline_mode = #tpu.pipeline_mode<synchronous>, transform_indices = @transform_22, window_bounds = array<i64: 3, 128, 256>}, {pipeline_mode = #tpu.pipeline_mode<synchronous>, transform_indices = @transform_23, window_bounds = array<i64: 128, 128>}]} {
    %eq3A = arith.constant 0 : i32
    %eq3A_0 = arith.cmpi eq, %arg0, %eq3A : i32
    %convert_element_type3A = arith.extui %eq3A_0 : i1 to i32
    %cond3A = arith.constant 0 : i32
    %cond3A_1 = arith.cmpi ne, %convert_element_type3A, %cond3A : i32
    scf.if %cond3A_1 {
      %broadcast_in_dim3A_272 = arith.constant 0.000000e+00 : f32
      %broadcast_in_dim3A_273 = vector.broadcast %broadcast_in_dim3A_272 : f32 to vector<128x256xf32>
      %swap3A_274 = arith.constant 0 : index
      %swap3A_275 = arith.constant 0 : index
      %swap3A_276 = vector.load %arg22[%swap3A_274, %swap3A_275] : memref<128x256xf32, #tpu.memory_space<vmem>>, vector<128x256xf32>
      tpu.vector_store %arg22[%swap3A_274, %swap3A_275], %broadcast_in_dim3A_273 {strides = array<i32>} : memref<128x256xf32, #tpu.memory_space<vmem>>, vector<128x256xf32>,
      %broadcast_in_dim3A_277 = arith.constant 0.000000e+00 : f32
      %broadcast_in_dim3A_278 = vector.broadcast %broadcast_in_dim3A_277 : f32 to vector<3x128x256xf32>
      %swap3A_279 = arith.constant 0 : index
      %swap3A_280 = arith.constant 0 : index
      %swap3A_281 = arith.constant 0 : index
      %swap3A_282 = vector.load %arg23[%swap3A_279, %swap3A_280, %swap3A_281] : memref<3x128x256xf32, #tpu.memory_space<vmem>>, vector<3x128x256xf32>
      tpu.vector_store %arg23[%swap3A_279, %swap3A_280, %swap3A_281], %broadcast_in_dim3A_278 {strides = array<i32>} : memref<3x128x256xf32, #tpu.memory_space<vmem>>, vector<3x128x256xf32>,
      %broadcast_in_dim3A_283 = arith.constant 0.000000e+00 : f32
      %broadcast_in_dim3A_284 = vector.broadcast %broadcast_in_dim3A_283 : f32 to vector<128x128xf32>
      %swap3A_285 = arith.constant 0 : index
      %swap3A_286 = arith.constant 0 : index
      %swap3A_287 = vector.load %arg24[%swap3A_285, %swap3A_286] : memref<128x128xf32, #tpu.memory_space<vmem>>, vector<128x128xf32>
      tpu.vector_store %arg24[%swap3A_285, %swap3A_286], %broadcast_in_dim3A_284 {strides = array<i32>} : memref<128x128xf32, #tpu.memory_space<vmem>>, vector<128x128xf32>,
    } else {
    }
    %get3A = arith.constant 0 : index
    %get3A_2 = arith.constant 0 : index
    %get3A_3 = vector.load %arg2[%get3A, %get3A_2] : memref<1000x256xf32, #tpu.memory_space<vmem>>, vector<1000x256xf32>
    %get3A_4 = arith.constant 0 : index
    %get3A_5 = arith.constant 0 : index
    %get3A_6 = vector.load %arg9[%get3A_4, %get3A_5] : memref<256x256xf32, #tpu.memory_space<vmem>>, vector<256x256xf32>
    %dot_general3A = arith.constant dense<0.000000e+00> : vector<1000x256xf32>
    %dot_general3A_7 = tpu.matmul %get3A_3, %get3A_6, %dot_general3A {dimension_numbers = #tpu.dot_dimension_numbers<[1], [0], [0], [1], [0, 0, 1, 1], [], []>, transpose_lhs_hint = false} : vector<1000x256xf32>, vector<256x256xf32>, vector<1000x256xf32> -> vector<1000x256xf32>
    %get3A_8 = arith.constant 0 : index
    %get3A_9 = arith.constant 0 : index
    %get3A_10 = vector.load %arg10[%get3A_8, %get3A_9] : memref<1x256xf32, #tpu.memory_space<vmem>>, vector<1x256xf32>
    %add3A = vector.broadcast %get3A_10 : vector<1x256xf32> to vector<1000x256xf32>
    %add3A_11 = arith.addf %dot_general3A_7, %add3A : vector<1000x256xf32>
    %logistic3A = arith.negf %add3A_11 : vector<1000x256xf32>
    %logistic3A_12 = math.exp %logistic3A : vector<1000x256xf32>
    %logistic3A_13 = arith.constant 1.000000e+00 : f32
    %logistic3A_14 = vector.broadcast %logistic3A_13 : f32 to vector<1000x256xf32>
    %logistic3A_15 = arith.addf %logistic3A_14, %logistic3A_12 : vector<1000x256xf32>
    %logistic3A_16 = arith.divf %logistic3A_14, %logistic3A_15 : vector<1000x256xf32>
    %mul3A = arith.mulf %add3A_11, %logistic3A_16 : vector<1000x256xf32>
    %mul3A_17 = arith.constant 1.66666663 : f32
    %mul3A_18 = vector.broadcast %mul3A_17 : f32 to vector<1000x256xf32>
    %mul3A_19 = arith.mulf %mul3A, %mul3A_18 : vector<1000x256xf32>
    %get3A_20 = arith.constant 0 : index
    %get3A_21 = arith.constant 0 : index
    %get3A_22 = vector.load %arg11[%get3A_20, %get3A_21] : memref<256x768xf32, #tpu.memory_space<vmem>>, vector<256x768xf32>
    %dot_general3A_23 = arith.constant dense<0.000000e+00> : vector<1000x768xf32>
    %dot_general3A_24 = tpu.matmul %mul3A_19, %get3A_22, %dot_general3A_23 {dimension_numbers = #tpu.dot_dimension_numbers<[1], [0], [0], [1], [0, 0, 1, 1], [], []>, transpose_lhs_hint = false} : vector<1000x256xf32>, vector<256x768xf32>, vector<1000x768xf32> -> vector<1000x768xf32>
    %get3A_25 = arith.constant 0 : index
    %get3A_26 = arith.constant 0 : index
    %get3A_27 = vector.load %arg12[%get3A_25, %get3A_26] : memref<1x768xf32, #tpu.memory_space<vmem>>, vector<1x768xf32>
    %add3A_28 = vector.broadcast %get3A_27 : vector<1x768xf32> to vector<1000x768xf32>
    %add3A_29 = arith.addf %dot_general3A_24, %add3A_28 : vector<1000x768xf32>
    %get3A_30 = arith.constant 0 : index
    %get3A_31 = arith.constant 0 : index
    %get3A_32 = vector.load %arg5[%get3A_30, %get3A_31] : memref<1000x64xf32, #tpu.memory_space<vmem>>, vector<1000x64xf32>
    %get3A_33 = arith.constant 0 : index
    %get3A_34 = arith.constant 0 : index
    %get3A_35 = vector.load %arg13[%get3A_33, %get3A_34] : memref<64x768xf32, #tpu.memory_space<vmem>>, vector<64x768xf32>
    %dot_general3A_36 = arith.constant dense<0.000000e+00> : vector<1000x768xf32>
    %dot_general3A_37 = tpu.matmul %get3A_32, %get3A_35, %dot_general3A_36 {dimension_numbers = #tpu.dot_dimension_numbers<[1], [0], [0], [1], [0, 0, 1, 1], [], []>, transpose_lhs_hint = false} : vector<1000x64xf32>, vector<64x768xf32>, vector<1000x768xf32> -> vector<1000x768xf32>
    %get3A_38 = arith.constant 0 : index
    %get3A_39 = arith.constant 0 : index
    %get3A_40 = vector.load %arg14[%get3A_38, %get3A_39] : memref<1x768xf32, #tpu.memory_space<vmem>>, vector<1x768xf32>
    %add3A_41 = vector.broadcast %get3A_40 : vector<1x768xf32> to vector<1000x768xf32>
    %add3A_42 = arith.addf %dot_general3A_37, %add3A_41 : vector<1000x768xf32>
    %mul3A_43 = arith.mulf %add3A_29, %add3A_42 : vector<1000x768xf32>
    %mul3A_44 = arith.constant 0.577350259 : f32
    %mul3A_45 = vector.broadcast %mul3A_44 : f32 to vector<1000x768xf32>
    %mul3A_46 = arith.mulf %mul3A_43, %mul3A_45 : vector<1000x768xf32>
    %slice3A = vector.extract_strided_slice %mul3A_46 {offsets = [0, 0], sizes = [1000, 256], strides = [1, 1]} : vector<1000x768xf32> to vector<1000x256xf32>
    %slice3A_47 = vector.extract_strided_slice %mul3A_46 {offsets = [0, 256], sizes = [1000, 256], strides = [1, 1]} : vector<1000x768xf32> to vector<1000x256xf32>
    %slice3A_48 = vector.extract_strided_slice %mul3A_46 {offsets = [0, 512], sizes = [1000, 256], strides = [1, 1]} : vector<1000x768xf32> to vector<1000x256xf32>
    %add3A_49 = arith.addf %slice3A_48, %get3A_3 : vector<1000x256xf32>
    %get3A_50 = arith.constant 0 : index
    %get3A_51 = arith.constant 0 : index
    %get3A_52 = arith.constant 0 : index
    %get3A_53 = vector.load %arg1[%get3A_50, %get3A_51, %get3A_52] : memref<1x1x1000xi32, #tpu.memory_space<vmem>>, vector<1x1x1000xi32>
    %get3A_54 = vector.shape_cast %get3A_53 : vector<1x1x1000xi32> to vector<1000xi32>
    %broadcast_in_dim3A = vector.shape_cast %get3A_54 : vector<1000xi32> to vector<1000x1xi32>
    %iota3A = tpu.iota {dimensions = array<i32: 1>} : vector<1000x128xi32>
    %eq3A_55 = vector.broadcast %broadcast_in_dim3A : vector<1000x1xi32> to vector<1000x128xi32>
    %eq3A_56 = arith.cmpi eq, %eq3A_55, %iota3A : vector<1000x128xi32>
    %convert_element_type3A_57 = arith.extui %eq3A_56 : vector<1000x128xi1> to vector<1000x128xi32>
    %convert_element_type3A_58 = arith.sitofp %convert_element_type3A_57 : vector<1000x128xi32> to vector<1000x128xf32>
    %get3A_59 = arith.constant 0 : index
    %get3A_60 = arith.constant 0 : index
    %get3A_61 = vector.load %arg3[%get3A_59, %get3A_60] : memref<1000x256xf32, #tpu.memory_space<vmem>>, vector<1000x256xf32>
    %get3A_62 = arith.constant 0 : index
    %get3A_63 = arith.constant 0 : index
    %get3A_64 = vector.load %arg15[%get3A_62, %get3A_63] : memref<512x256xf32, #tpu.memory_space<vmem>>, vector<256x256xf32>
    %dot_general3A_65 = arith.constant dense<0.000000e+00> : vector<1000x256xf32>
    %dot_general3A_66 = tpu.matmul %add3A_49, %get3A_64, %dot_general3A_65 {dimension_numbers = #tpu.dot_dimension_numbers<[1], [0], [0], [1], [0, 0, 1, 1], [], []>, transpose_lhs_hint = false} : vector<1000x256xf32>, vector<256x256xf32>, vector<1000x256xf32> -> vector<1000x256xf32>
    %get3A_67 = arith.constant 256 : index
    %get3A_68 = arith.constant 0 : index
    %get3A_69 = vector.load %arg15[%get3A_67, %get3A_68] : memref<512x256xf32, #tpu.memory_space<vmem>>, vector<256x256xf32>
    %dot_general3A_70 = arith.constant dense<0.000000e+00> : vector<1000x256xf32>
    %dot_general3A_71 = tpu.matmul %get3A_61, %get3A_69, %dot_general3A_70 {dimension_numbers = #tpu.dot_dimension_numbers<[1], [0], [0], [1], [0, 0, 1, 1], [], []>, transpose_lhs_hint = false} : vector<1000x256xf32>, vector<256x256xf32>, vector<1000x256xf32> -> vector<1000x256xf32>
    %add3A_72 = arith.addf %dot_general3A_66, %dot_general3A_71 : vector<1000x256xf32>
    %get3A_73 = arith.constant 0 : index
    %get3A_74 = arith.constant 0 : index
    %get3A_75 = vector.load %arg16[%get3A_73, %get3A_74] : memref<1x256xf32, #tpu.memory_space<vmem>>, vector<1x256xf32>
    %add3A_76 = vector.broadcast %get3A_75 : vector<1x256xf32> to vector<1000x256xf32>
    %add3A_77 = arith.addf %add3A_72, %add3A_76 : vector<1000x256xf32>
    %logistic3A_78 = arith.negf %add3A_77 : vector<1000x256xf32>
    %logistic3A_79 = math.exp %logistic3A_78 : vector<1000x256xf32>
    %logistic3A_80 = arith.constant 1.000000e+00 : f32
    %logistic3A_81 = vector.broadcast %logistic3A_80 : f32 to vector<1000x256xf32>
    %logistic3A_82 = arith.addf %logistic3A_81, %logistic3A_79 : vector<1000x256xf32>
    %logistic3A_83 = arith.divf %logistic3A_81, %logistic3A_82 : vector<1000x256xf32>
    %mul3A_84 = arith.mulf %add3A_77, %logistic3A_83 : vector<1000x256xf32>
    %mul3A_85 = arith.constant 1.66666663 : f32
    %mul3A_86 = vector.broadcast %mul3A_85 : f32 to vector<1000x256xf32>
    %mul3A_87 = arith.mulf %mul3A_84, %mul3A_86 : vector<1000x256xf32>
    %get3A_88 = arith.constant 0 : index
    %get3A_89 = arith.constant 0 : index
    %get3A_90 = vector.load %arg17[%get3A_88, %get3A_89] : memref<256x256xf32, #tpu.memory_space<vmem>>, vector<256x256xf32>
    %dot_general3A_91 = arith.constant dense<0.000000e+00> : vector<1000x256xf32>
    %dot_general3A_92 = tpu.matmul %mul3A_87, %get3A_90, %dot_general3A_91 {dimension_numbers = #tpu.dot_dimension_numbers<[1], [0], [0], [1], [0, 0, 1, 1], [], []>, transpose_lhs_hint = false} : vector<1000x256xf32>, vector<256x256xf32>, vector<1000x256xf32> -> vector<1000x256xf32>
    %get3A_93 = arith.constant 0 : index
    %get3A_94 = arith.constant 0 : index
    %get3A_95 = vector.load %arg18[%get3A_93, %get3A_94] : memref<1x256xf32, #tpu.memory_space<vmem>>, vector<1x256xf32>
    %add3A_96 = vector.broadcast %get3A_95 : vector<1x256xf32> to vector<1000x256xf32>
    %add3A_97 = arith.addf %dot_general3A_92, %add3A_96 : vector<1000x256xf32>
    %logistic3A_98 = arith.negf %add3A_97 : vector<1000x256xf32>
    %logistic3A_99 = math.exp %logistic3A_98 : vector<1000x256xf32>
    %logistic3A_100 = arith.constant 1.000000e+00 : f32
    %logistic3A_101 = vector.broadcast %logistic3A_100 : f32 to vector<1000x256xf32>
    %logistic3A_102 = arith.addf %logistic3A_101, %logistic3A_99 : vector<1000x256xf32>
    %logistic3A_103 = arith.divf %logistic3A_101, %logistic3A_102 : vector<1000x256xf32>
    %mul3A_104 = arith.mulf %add3A_97, %logistic3A_103 : vector<1000x256xf32>
    %mul3A_105 = arith.constant 1.66666663 : f32
    %mul3A_106 = vector.broadcast %mul3A_105 : f32 to vector<1000x256xf32>
    %mul3A_107 = arith.mulf %mul3A_104, %mul3A_106 : vector<1000x256xf32>
    %add3A_108 = arith.addf %mul3A_107, %add3A_49 : vector<1000x256xf32>
    %swap3A = arith.constant 0 : index
    %swap3A_109 = arith.constant 0 : index
    %swap3A_110 = vector.load %arg20[%swap3A, %swap3A_109] : memref<1000x256xf32, #tpu.memory_space<vmem>>, vector<1000x256xf32>
    tpu.vector_store %arg20[%swap3A, %swap3A_109], %add3A_108 {strides = array<i32>} : memref<1000x256xf32, #tpu.memory_space<vmem>>, vector<1000x256xf32>,
    %get3A_111 = arith.constant 0 : index
    %get3A_112 = arith.constant 0 : index
    %get3A_113 = vector.load %arg22[%get3A_111, %get3A_112] : memref<128x256xf32, #tpu.memory_space<vmem>>, vector<128x256xf32>
    %dot_general3A_114 = arith.constant dense<0.000000e+00> : vector<128x256xf32>
    %dot_general3A_115 = tpu.matmul %convert_element_type3A_58, %add3A_108, %dot_general3A_114 {dimension_numbers = #tpu.dot_dimension_numbers<[0], [0], [1], [1], [0, 1, 1, 1], [], []>, transpose_lhs_hint = false} : vector<1000x128xf32>, vector<1000x256xf32>, vector<128x256xf32> -> vector<128x256xf32>
    %add3A_116 = arith.addf %get3A_113, %dot_general3A_115 : vector<128x256xf32>
    %swap3A_117 = arith.constant 0 : index
    %swap3A_118 = arith.constant 0 : index
    %swap3A_119 = vector.load %arg22[%swap3A_117, %swap3A_118] : memref<128x256xf32, #tpu.memory_space<vmem>>, vector<128x256xf32>
    tpu.vector_store %arg22[%swap3A_117, %swap3A_118], %add3A_116 {strides = array<i32>} : memref<128x256xf32, #tpu.memory_space<vmem>>, vector<128x256xf32>,
    %get3A_120 = arith.constant 0 : index
    %get3A_121 = arith.constant 0 : index
    %get3A_122 = vector.load %arg24[%get3A_120, %get3A_121] : memref<128x128xf32, #tpu.memory_space<vmem>>, vector<128x128xf32>
    %broadcast_in_dim3A_123 = arith.constant 1.000000e+00 : f32
    %broadcast_in_dim3A_124 = vector.broadcast %broadcast_in_dim3A_123 : f32 to vector<1000x128xf32>
    %dot_general3A_125 = arith.constant dense<0.000000e+00> : vector<128x128xf32>
    %dot_general3A_126 = tpu.matmul %convert_element_type3A_58, %broadcast_in_dim3A_124, %dot_general3A_125 {dimension_numbers = #tpu.dot_dimension_numbers<[0], [0], [1], [1], [0, 1, 1, 1], [], []>, transpose_lhs_hint = false} : vector<1000x128xf32>, vector<1000x128xf32>, vector<128x128xf32> -> vector<128x128xf32>
    %add3A_127 = arith.addf %get3A_122, %dot_general3A_126 : vector<128x128xf32>
    %swap3A_128 = arith.constant 0 : index
    %swap3A_129 = arith.constant 0 : index
    %swap3A_130 = vector.load %arg24[%swap3A_128, %swap3A_129] : memref<128x128xf32, #tpu.memory_space<vmem>>, vector<128x128xf32>
    tpu.vector_store %arg24[%swap3A_128, %swap3A_129], %add3A_127 {strides = array<i32>} : memref<128x128xf32, #tpu.memory_space<vmem>>, vector<128x128xf32>,
    %get3A_131 = arith.constant 0 : index
    %get3A_132 = arith.constant 0 : index
    %get3A_133 = vector.load %arg19[%get3A_131, %get3A_132] : memref<256x256xf32, #tpu.memory_space<vmem>>, vector<256x256xf32>
    %get3A_134 = arith.constant 0 : index
    %get3A_135 = arith.constant 0 : index
    %get3A_136 = arith.constant 0 : index
    %get3A_137 = vector.load %arg4[%get3A_134, %get3A_135, %get3A_136] : memref<1000x3x256xf32, #tpu.memory_space<vmem>>, vector<1000x1x256xf32>
    %get3A_138 = vector.shape_cast %get3A_137 : vector<1000x1x256xf32> to vector<1000x256xf32>
    %mul3A_139 = arith.mulf %slice3A, %get3A_138 : vector<1000x256xf32>
    %get3A_140 = arith.constant 0 : index
    %get3A_141 = arith.constant 0 : index
    %get3A_142 = vector.load %arg6[%get3A_140, %get3A_141] : memref<1000x3xf32, #tpu.memory_space<vmem>>, vector<1000x1xf32>
    %mul3A_143 = vector.broadcast %get3A_142 : vector<1000x1xf32> to vector<1000x256xf32>
    %mul3A_144 = arith.mulf %slice3A_47, %mul3A_143 : vector<1000x256xf32>
    %add3A_145 = arith.addf %mul3A_139, %mul3A_144 : vector<1000x256xf32>
    %mul3A_146 = arith.constant 6.250000e-02 : f32
    %mul3A_147 = vector.broadcast %mul3A_146 : f32 to vector<1000x256xf32>
    %mul3A_148 = arith.mulf %add3A_145, %mul3A_147 : vector<1000x256xf32>
    %get3A_149 = arith.constant 0 : index
    %get3A_150 = arith.constant 0 : index
    %get3A_151 = arith.constant 0 : index
    %get3A_152 = vector.load %arg8[%get3A_149, %get3A_150, %get3A_151] : memref<128x3x256xf32, #tpu.memory_space<vmem>>, vector<128x1x256xf32>
    %get3A_153 = vector.shape_cast %get3A_152 : vector<128x1x256xf32> to vector<128x256xf32>
    %dot_general3A_154 = arith.constant dense<0.000000e+00> : vector<1000x256xf32>
    %dot_general3A_155 = tpu.matmul %convert_element_type3A_58, %get3A_153, %dot_general3A_154 {dimension_numbers = #tpu.dot_dimension_numbers<[1], [0], [0], [1], [0, 0, 1, 1], [], []>, transpose_lhs_hint = false} : vector<1000x128xf32>, vector<128x256xf32>, vector<1000x256xf32> -> vector<1000x256xf32>
    %add3A_156 = arith.addf %mul3A_148, %dot_general3A_155 : vector<1000x256xf32>
    %dot_general3A_157 = arith.constant dense<0.000000e+00> : vector<1000x256xf32>
    %dot_general3A_158 = tpu.matmul %add3A_156, %get3A_133, %dot_general3A_157 {dimension_numbers = #tpu.dot_dimension_numbers<[1], [0], [0], [1], [0, 0, 1, 1], [], []>, transpose_lhs_hint = false} : vector<1000x256xf32>, vector<256x256xf32>, vector<1000x256xf32> -> vector<1000x256xf32>
    %add3A_159 = arith.addf %dot_general3A_158, %mul3A_148 : vector<1000x256xf32>
    %swap3A_160 = arith.constant 0 : index
    %swap3A_161 = arith.constant 0 : index
    %swap3A_162 = arith.constant 0 : index
    %swap3A_163 = vector.load %arg21[%swap3A_160, %swap3A_161, %swap3A_162] : memref<1000x3x256xf32, #tpu.memory_space<vmem>>, vector<1000x1x256xf32>
    %swap3A_164 = vector.shape_cast %swap3A_163 : vector<1000x1x256xf32> to vector<1000x256xf32>
    %swap3A_165 = vector.shape_cast %add3A_159 : vector<1000x256xf32> to vector<1000x1x256xf32>
    tpu.vector_store %arg21[%swap3A_160, %swap3A_161, %swap3A_162], %swap3A_165 {strides = array<i32>} : memref<1000x3x256xf32, #tpu.memory_space<vmem>>, vector<1000x1x256xf32>,
    %get3A_166 = arith.constant 0 : index
    %get3A_167 = arith.constant 0 : index
    %get3A_168 = arith.constant 0 : index
    %get3A_169 = vector.load %arg23[%get3A_166, %get3A_167, %get3A_168] : memref<3x128x256xf32, #tpu.memory_space<vmem>>, vector<1x128x256xf32>
    %get3A_170 = vector.shape_cast %get3A_169 : vector<1x128x256xf32> to vector<128x256xf32>
    %dot_general3A_171 = arith.constant dense<0.000000e+00> : vector<128x256xf32>
    %dot_general3A_172 = tpu.matmul %convert_element_type3A_58, %add3A_159, %dot_general3A_171 {dimension_numbers = #tpu.dot_dimension_numbers<[0], [0], [1], [1], [0, 1, 1, 1], [], []>, transpose_lhs_hint = false} : vector<1000x128xf32>, vector<1000x256xf32>, vector<128x256xf32> -> vector<128x256xf32>
    %add3A_173 = arith.addf %get3A_170, %dot_general3A_172 : vector<128x256xf32>
    %swap3A_174 = arith.constant 0 : index
    %swap3A_175 = arith.constant 0 : index
    %swap3A_176 = arith.constant 0 : index
    %swap3A_177 = vector.load %arg23[%swap3A_174, %swap3A_175, %swap3A_176] : memref<3x128x256xf32, #tpu.memory_space<vmem>>, vector<1x128x256xf32>
    %swap3A_178 = vector.shape_cast %swap3A_177 : vector<1x128x256xf32> to vector<128x256xf32>
    %swap3A_179 = vector.shape_cast %add3A_173 : vector<128x256xf32> to vector<1x128x256xf32>
    tpu.vector_store %arg23[%swap3A_174, %swap3A_175, %swap3A_176], %swap3A_179 {strides = array<i32>} : memref<3x128x256xf32, #tpu.memory_space<vmem>>, vector<1x128x256xf32>,
    %get3A_180 = arith.constant 0 : index
    %get3A_181 = arith.constant 1 : index
    %get3A_182 = arith.constant 0 : index
    %get3A_183 = vector.load %arg4[%get3A_180, %get3A_181, %get3A_182] : memref<1000x3x256xf32, #tpu.memory_space<vmem>>, vector<1000x1x256xf32>
    %get3A_184 = vector.shape_cast %get3A_183 : vector<1000x1x256xf32> to vector<1000x256xf32>
    %mul3A_185 = arith.mulf %slice3A, %get3A_184 : vector<1000x256xf32>
    %get3A_186 = arith.constant 0 : index
    %get3A_187 = arith.constant 1 : index
    %get3A_188 = vector.load %arg6[%get3A_186, %get3A_187] : memref<1000x3xf32, #tpu.memory_space<vmem>>, vector<1000x1xf32>
    %mul3A_189 = vector.broadcast %get3A_188 : vector<1000x1xf32> to vector<1000x256xf32>
    %mul3A_190 = arith.mulf %slice3A_47, %mul3A_189 : vector<1000x256xf32>
    %add3A_191 = arith.addf %mul3A_185, %mul3A_190 : vector<1000x256xf32>
    %mul3A_192 = arith.constant 6.250000e-02 : f32
    %mul3A_193 = vector.broadcast %mul3A_192 : f32 to vector<1000x256xf32>
    %mul3A_194 = arith.mulf %add3A_191, %mul3A_193 : vector<1000x256xf32>
    %get3A_195 = arith.constant 0 : index
    %get3A_196 = arith.constant 1 : index
    %get3A_197 = arith.constant 0 : index
    %get3A_198 = vector.load %arg8[%get3A_195, %get3A_196, %get3A_197] : memref<128x3x256xf32, #tpu.memory_space<vmem>>, vector<128x1x256xf32>
    %get3A_199 = vector.shape_cast %get3A_198 : vector<128x1x256xf32> to vector<128x256xf32>
    %dot_general3A_200 = arith.constant dense<0.000000e+00> : vector<1000x256xf32>
    %dot_general3A_201 = tpu.matmul %convert_element_type3A_58, %get3A_199, %dot_general3A_200 {dimension_numbers = #tpu.dot_dimension_numbers<[1], [0], [0], [1], [0, 0, 1, 1], [], []>, transpose_lhs_hint = false} : vector<1000x128xf32>, vector<128x256xf32>, vector<1000x256xf32> -> vector<1000x256xf32>
    %add3A_202 = arith.addf %mul3A_194, %dot_general3A_201 : vector<1000x256xf32>
    %dot_general3A_203 = arith.constant dense<0.000000e+00> : vector<1000x256xf32>
    %dot_general3A_204 = tpu.matmul %add3A_202, %get3A_133, %dot_general3A_203 {dimension_numbers = #tpu.dot_dimension_numbers<[1], [0], [0], [1], [0, 0, 1, 1], [], []>, transpose_lhs_hint = false} : vector<1000x256xf32>, vector<256x256xf32>, vector<1000x256xf32> -> vector<1000x256xf32>
    %add3A_205 = arith.addf %dot_general3A_204, %mul3A_194 : vector<1000x256xf32>
    %swap3A_206 = arith.constant 0 : index
    %swap3A_207 = arith.constant 1 : index
    %swap3A_208 = arith.constant 0 : index
    %swap3A_209 = vector.load %arg21[%swap3A_206, %swap3A_207, %swap3A_208] : memref<1000x3x256xf32, #tpu.memory_space<vmem>>, vector<1000x1x256xf32>
    %swap3A_210 = vector.shape_cast %swap3A_209 : vector<1000x1x256xf32> to vector<1000x256xf32>
    %swap3A_211 = vector.shape_cast %add3A_205 : vector<1000x256xf32> to vector<1000x1x256xf32>
    tpu.vector_store %arg21[%swap3A_206, %swap3A_207, %swap3A_208], %swap3A_211 {strides = array<i32>} : memref<1000x3x256xf32, #tpu.memory_space<vmem>>, vector<1000x1x256xf32>,
    %get3A_212 = arith.constant 1 : index
    %get3A_213 = arith.constant 0 : index
    %get3A_214 = arith.constant 0 : index
    %get3A_215 = vector.load %arg23[%get3A_212, %get3A_213, %get3A_214] : memref<3x128x256xf32, #tpu.memory_space<vmem>>, vector<1x128x256xf32>
    %get3A_216 = vector.shape_cast %get3A_215 : vector<1x128x256xf32> to vector<128x256xf32>
    %dot_general3A_217 = arith.constant dense<0.000000e+00> : vector<128x256xf32>
    %dot_general3A_218 = tpu.matmul %convert_element_type3A_58, %add3A_205, %dot_general3A_217 {dimension_numbers = #tpu.dot_dimension_numbers<[0], [0], [1], [1], [0, 1, 1, 1], [], []>, transpose_lhs_hint = false} : vector<1000x128xf32>, vector<1000x256xf32>, vector<128x256xf32> -> vector<128x256xf32>
    %add3A_219 = arith.addf %get3A_216, %dot_general3A_218 : vector<128x256xf32>
    %swap3A_220 = arith.constant 1 : index
    %swap3A_221 = arith.constant 0 : index
    %swap3A_222 = arith.constant 0 : index
    %swap3A_223 = vector.load %arg23[%swap3A_220, %swap3A_221, %swap3A_222] : memref<3x128x256xf32, #tpu.memory_space<vmem>>, vector<1x128x256xf32>
    %swap3A_224 = vector.shape_cast %swap3A_223 : vector<1x128x256xf32> to vector<128x256xf32>
    %swap3A_225 = vector.shape_cast %add3A_219 : vector<128x256xf32> to vector<1x128x256xf32>
    tpu.vector_store %arg23[%swap3A_220, %swap3A_221, %swap3A_222], %swap3A_225 {strides = array<i32>} : memref<3x128x256xf32, #tpu.memory_space<vmem>>, vector<1x128x256xf32>,
    %get3A_226 = arith.constant 0 : index
    %get3A_227 = arith.constant 2 : index
    %get3A_228 = arith.constant 0 : index
    %get3A_229 = vector.load %arg4[%get3A_226, %get3A_227, %get3A_228] : memref<1000x3x256xf32, #tpu.memory_space<vmem>>, vector<1000x1x256xf32>
    %get3A_230 = vector.shape_cast %get3A_229 : vector<1000x1x256xf32> to vector<1000x256xf32>
    %mul3A_231 = arith.mulf %slice3A, %get3A_230 : vector<1000x256xf32>
    %get3A_232 = arith.constant 0 : index
    %get3A_233 = arith.constant 2 : index
    %get3A_234 = vector.load %arg6[%get3A_232, %get3A_233] : memref<1000x3xf32, #tpu.memory_space<vmem>>, vector<1000x1xf32>
    %mul3A_235 = vector.broadcast %get3A_234 : vector<1000x1xf32> to vector<1000x256xf32>
    %mul3A_236 = arith.mulf %slice3A_47, %mul3A_235 : vector<1000x256xf32>
    %add3A_237 = arith.addf %mul3A_231, %mul3A_236 : vector<1000x256xf32>
    %mul3A_238 = arith.constant 6.250000e-02 : f32
    %mul3A_239 = vector.broadcast %mul3A_238 : f32 to vector<1000x256xf32>
    %mul3A_240 = arith.mulf %add3A_237, %mul3A_239 : vector<1000x256xf32>
    %get3A_241 = arith.constant 0 : index
    %get3A_242 = arith.constant 2 : index
    %get3A_243 = arith.constant 0 : index
    %get3A_244 = vector.load %arg8[%get3A_241, %get3A_242, %get3A_243] : memref<128x3x256xf32, #tpu.memory_space<vmem>>, vector<128x1x256xf32>
    %get3A_245 = vector.shape_cast %get3A_244 : vector<128x1x256xf32> to vector<128x256xf32>
    %dot_general3A_246 = arith.constant dense<0.000000e+00> : vector<1000x256xf32>
    %dot_general3A_247 = tpu.matmul %convert_element_type3A_58, %get3A_245, %dot_general3A_246 {dimension_numbers = #tpu.dot_dimension_numbers<[1], [0], [0], [1], [0, 0, 1, 1], [], []>, transpose_lhs_hint = false} : vector<1000x128xf32>, vector<128x256xf32>, vector<1000x256xf32> -> vector<1000x256xf32>
    %add3A_248 = arith.addf %mul3A_240, %dot_general3A_247 : vector<1000x256xf32>
    %dot_general3A_249 = arith.constant dense<0.000000e+00> : vector<1000x256xf32>
    %dot_general3A_250 = tpu.matmul %add3A_248, %get3A_133, %dot_general3A_249 {dimension_numbers = #tpu.dot_dimension_numbers<[1], [0], [0], [1], [0, 0, 1, 1], [], []>, transpose_lhs_hint = false} : vector<1000x256xf32>, vector<256x256xf32>, vector<1000x256xf32> -> vector<1000x256xf32>
    %add3A_251 = arith.addf %dot_general3A_250, %mul3A_240 : vector<1000x256xf32>
    %swap3A_252 = arith.constant 0 : index
    %swap3A_253 = arith.constant 2 : index
    %swap3A_254 = arith.constant 0 : index
    %swap3A_255 = vector.load %arg21[%swap3A_252, %swap3A_253, %swap3A_254] : memref<1000x3x256xf32, #tpu.memory_space<vmem>>, vector<1000x1x256xf32>
    %swap3A_256 = vector.shape_cast %swap3A_255 : vector<1000x1x256xf32> to vector<1000x256xf32>
    %swap3A_257 = vector.shape_cast %add3A_251 : vector<1000x256xf32> to vector<1000x1x256xf32>
    tpu.vector_store %arg21[%swap3A_252, %swap3A_253, %swap3A_254], %swap3A_257 {strides = array<i32>} : memref<1000x3x256xf32, #tpu.memory_space<vmem>>, vector<1000x1x256xf32>,
    %get3A_258 = arith.constant 2 : index
    %get3A_259 = arith.constant 0 : index
    %get3A_260 = arith.constant 0 : index
    %get3A_261 = vector.load %arg23[%get3A_258, %get3A_259, %get3A_260] : memref<3x128x256xf32, #tpu.memory_space<vmem>>, vector<1x128x256xf32>
    %get3A_262 = vector.shape_cast %get3A_261 : vector<1x128x256xf32> to vector<128x256xf32>
    %dot_general3A_263 = arith.constant dense<0.000000e+00> : vector<128x256xf32>
    %dot_general3A_264 = tpu.matmul %convert_element_type3A_58, %add3A_251, %dot_general3A_263 {dimension_numbers = #tpu.dot_dimension_numbers<[0], [0], [1], [1], [0, 1, 1, 1], [], []>, transpose_lhs_hint = false} : vector<1000x128xf32>, vector<1000x256xf32>, vector<128x256xf32> -> vector<128x256xf32>
    %add3A_265 = arith.addf %get3A_262, %dot_general3A_264 : vector<128x256xf32>
    %swap3A_266 = arith.constant 2 : index
    %swap3A_267 = arith.constant 0 : index
    %swap3A_268 = arith.constant 0 : index
    %swap3A_269 = vector.load %arg23[%swap3A_266, %swap3A_267, %swap3A_268] : memref<3x128x256xf32, #tpu.memory_space<vmem>>, vector<1x128x256xf32>
    %swap3A_270 = vector.shape_cast %swap3A_269 : vector<1x128x256xf32> to vector<128x256xf32>
    %swap3A_271 = vector.shape_cast %add3A_265 : vector<128x256xf32> to vector<1x128x256xf32>
    tpu.vector_store %arg23[%swap3A_266, %swap3A_267, %swap3A_268], %swap3A_271 {strides = array<i32>} : memref<3x128x256xf32, #tpu.memory_space<vmem>>, vector<1x128x256xf32>,
    return
  }
  func.func @transform_0(%arg0: i32) -> (i32, i32, i32) {
    %c0_i32 = arith.constant 0 : i32
    %c0_i32_0 = arith.constant 0 : i32
    %c0_i32_1 = arith.constant 0 : i32
    return %arg0, %c0_i32, %c0_i32_0 : i32, i32, i32
  }
  func.func @transform_1(%arg0: i32) -> (i32, i32) {
    %c0_i32 = arith.constant 0 : i32
    %c0_i32_0 = arith.constant 0 : i32
    return %arg0, %c0_i32 : i32, i32
  }
  func.func @transform_2(%arg0: i32) -> (i32, i32) {
    %c0_i32 = arith.constant 0 : i32
    %c0_i32_0 = arith.constant 0 : i32
    return %arg0, %c0_i32 : i32, i32
  }
  func.func @transform_3(%arg0: i32) -> (i32, i32, i32) {
    %c0_i32 = arith.constant 0 : i32
    %c0_i32_0 = arith.constant 0 : i32
    %c0_i32_1 = arith.constant 0 : i32
    return %arg0, %c0_i32, %c0_i32_0 : i32, i32, i32
  }
  func.func @transform_4(%arg0: i32) -> (i32, i32) {
    %c0_i32 = arith.constant 0 : i32
    %c0_i32_0 = arith.constant 0 : i32
    return %arg0, %c0_i32 : i32, i32
  }
  func.func @transform_5(%arg0: i32) -> (i32, i32) {
    %c0_i32 = arith.constant 0 : i32
    %c0_i32_0 = arith.constant 0 : i32
    return %arg0, %c0_i32 : i32, i32
  }
  func.func @transform_6(%arg0: i32) -> (i32, i32) {
    %c0_i32 = arith.constant 0 : i32
    %c0_i32_0 = arith.constant 0 : i32
    %c0_i32_1 = arith.constant 0 : i32
    return %c0_i32, %c0_i32_0 : i32, i32
  }
  func.func @transform_7(%arg0: i32) -> (i32, i32, i32) {
    %c0_i32 = arith.constant 0 : i32
    %c0_i32_0 = arith.constant 0 : i32
    %c0_i32_1 = arith.constant 0 : i32
    %c0_i32_2 = arith.constant 0 : i32
    return %c0_i32, %c0_i32_0, %c0_i32_1 : i32, i32, i32
  }
  func.func @transform_8(%arg0: i32) -> (i32, i32) {
    %c0_i32 = arith.constant 0 : i32
    %c0_i32_0 = arith.constant 0 : i32
    %c0_i32_1 = arith.constant 0 : i32
    return %c0_i32, %c0_i32_0 : i32, i32
  }
  func.func @transform_9(%arg0: i32) -> (i32, i32) {
    %c0_i32 = arith.constant 0 : i32
    %c0_i32_0 = arith.constant 0 : i32
    %c0_i32_1 = arith.constant 0 : i32
    return %c0_i32, %c0_i32_0 : i32, i32
  }
  func.func @transform_10(%arg0: i32) -> (i32, i32) {
    %c0_i32 = arith.constant 0 : i32
    %c0_i32_0 = arith.constant 0 : i32
    %c0_i32_1 = arith.constant 0 : i32
    return %c0_i32, %c0_i32_0 : i32, i32
  }
  func.func @transform_11(%arg0: i32) -> (i32, i32) {
    %c0_i32 = arith.constant 0 : i32
    %c0_i32_0 = arith.constant 0 : i32
    %c0_i32_1 = arith.constant 0 : i32
    return %c0_i32, %c0_i32_0 : i32, i32
  }
  func.func @transform_12(%arg0: i32) -> (i32, i32) {
    %c0_i32 = arith.constant 0 : i32
    %c0_i32_0 = arith.constant 0 : i32
    %c0_i32_1 = arith.constant 0 : i32
    return %c0_i32, %c0_i32_0 : i32, i32
  }
  func.func @transform_13(%arg0: i32) -> (i32, i32) {
    %c0_i32 = arith.constant 0 : i32
    %c0_i32_0 = arith.constant 0 : i32
    %c0_i32_1 = arith.constant 0 : i32
    return %c0_i32, %c0_i32_0 : i32, i32
  }
  func.func @transform_14(%arg0: i32) -> (i32, i32) {
    %c0_i32 = arith.constant 0 : i32
    %c0_i32_0 = arith.constant 0 : i32
    %c0_i32_1 = arith.constant 0 : i32
    return %c0_i32, %c0_i32_0 : i32, i32
  }
  func.func @transform_15(%arg0: i32) -> (i32, i32) {
    %c0_i32 = arith.constant 0 : i32
    %c0_i32_0 = arith.constant 0 : i32
    %c0_i32_1 = arith.constant 0 : i32
    return %c0_i32, %c0_i32_0 : i32, i32
  }
  func.func @transform_16(%arg0: i32) -> (i32, i32) {
    %c0_i32 = arith.constant 0 : i32
    %c0_i32_0 = arith.constant 0 : i32
    %c0_i32_1 = arith.constant 0 : i32
    return %c0_i32, %c0_i32_0 : i32, i32
  }
  func.func @transform_17(%arg0: i32) -> (i32, i32) {
    %c0_i32 = arith.constant 0 : i32
    %c0_i32_0 = arith.constant 0 : i32
    %c0_i32_1 = arith.constant 0 : i32
    return %c0_i32, %c0_i32_0 : i32, i32
  }
  func.func @transform_18(%arg0: i32) -> (i32, i32) {
    %c0_i32 = arith.constant 0 : i32
    %c0_i32_0 = arith.constant 0 : i32
    %c0_i32_1 = arith.constant 0 : i32
    return %c0_i32, %c0_i32_0 : i32, i32
  }
  func.func @transform_19(%arg0: i32) -> (i32, i32) {
    %c0_i32 = arith.constant 0 : i32
    %c0_i32_0 = arith.constant 0 : i32
    return %arg0, %c0_i32 : i32, i32
  }
  func.func @transform_20(%arg0: i32) -> (i32, i32, i32) {
    %c0_i32 = arith.constant 0 : i32
    %c0_i32_0 = arith.constant 0 : i32
    %c0_i32_1 = arith.constant 0 : i32
    return %arg0, %c0_i32, %c0_i32_0 : i32, i32, i32
  }
  func.func @transform_21(%arg0: i32) -> (i32, i32) {
    %c0_i32 = arith.constant 0 : i32
    %c0_i32_0 = arith.constant 0 : i32
    %c0_i32_1 = arith.constant 0 : i32
    return %c0_i32, %c0_i32_0 : i32, i32
  }
  func.func @transform_22(%arg0: i32) -> (i32, i32, i32) {
    %c0_i32 = arith.constant 0 : i32
    %c0_i32_0 = arith.constant 0 : i32
    %c0_i32_1 = arith.constant 0 : i32
    %c0_i32_2 = arith.constant 0 : i32
    return %c0_i32, %c0_i32_0, %c0_i32_1 : i32, i32, i32
  }
  func.func @transform_23(%arg0: i32) -> (i32, i32) {
    %c0_i32 = arith.constant 0 : i32
    %c0_i32_0 = arith.constant 0 : i32
    %c0_i32_1 = arith.constant 0 : i32
    return %c0_i32, %c0_i32_0 : i32, i32
  }
}

module attributes {stable_mosaic.version = 14 : i64} {
  func.func @_tail_body(%arg0: memref<128x256xf32, #tpu.memory_space<vmem>>, %arg1: memref<3x128x256xf32, #tpu.memory_space<vmem>>, %arg2: memref<128x128xf32, #tpu.memory_space<vmem>>, %arg3: memref<128x256xf32, #tpu.memory_space<vmem>>, %arg4: memref<128x3x256xf32, #tpu.memory_space<vmem>>, %arg5: memref<512x256xf32, #tpu.memory_space<vmem>>, %arg6: memref<1x256xf32, #tpu.memory_space<vmem>>, %arg7: memref<256x256xf32, #tpu.memory_space<vmem>>, %arg8: memref<1x256xf32, #tpu.memory_space<vmem>>, %arg9: memref<256x256xf32, #tpu.memory_space<vmem>>, %arg10: memref<256x512xf32, #tpu.memory_space<vmem>>, %arg11: memref<512x256xf32, #tpu.memory_space<vmem>>, %arg12: memref<1x256xf32, #tpu.memory_space<vmem>>, %arg13: memref<256x768xf32, #tpu.memory_space<vmem>>, %arg14: memref<1x768xf32, #tpu.memory_space<vmem>>, %arg15: memref<1x256xf32, #tpu.memory_space<vmem>>, %arg16: memref<128x256xf32, #tpu.memory_space<vmem>>, %arg17: memref<128x3x256xf32, #tpu.memory_space<vmem>>, %arg18: memref<128x3xf32, #tpu.memory_space<vmem>>) attributes {dimension_semantics = [], scalar_prefetch = 0 : i64, scratch_operands = 0 : i64, tpu.core_type = #tpu.core_type<tc>} {
    %get3A = arith.constant 0 : index
    %get3A_0 = arith.constant 0 : index
    %get3A_1 = vector.load %arg2[%get3A, %get3A_0] : memref<128x128xf32, #tpu.memory_space<vmem>>, vector<128x128xf32>
    %max3A = arith.constant 1.000000e+00 : f32
    %max3A_2 = vector.broadcast %max3A : f32 to vector<128x128xf32>
    %max3A_3 = arith.maximumf %get3A_1, %max3A_2 : vector<128x128xf32>
    %div3A = arith.constant 1.000000e+00 : f32
    %div3A_4 = vector.broadcast %div3A : f32 to vector<128x128xf32>
    %div3A_5 = arith.divf %div3A_4, %max3A_3 : vector<128x128xf32>
    %slice3A = vector.extract_strided_slice %div3A_5 {offsets = [0, 0], sizes = [128, 1], strides = [1, 1]} : vector<128x128xf32> to vector<128x1xf32>
    %broadcast_in_dim3A = vector.shape_cast %slice3A : vector<128x1xf32> to vector<128x1xf32>
    %broadcast_in_dim3A_6 = vector.broadcast %broadcast_in_dim3A : vector<128x1xf32> to vector<128x256xf32>
    %get3A_7 = arith.constant 0 : index
    %get3A_8 = arith.constant 0 : index
    %get3A_9 = vector.load %arg3[%get3A_7, %get3A_8] : memref<128x256xf32, #tpu.memory_space<vmem>>, vector<128x256xf32>
    %get3A_10 = arith.constant 0 : index
    %get3A_11 = arith.constant 0 : index
    %get3A_12 = vector.load %arg0[%get3A_10, %get3A_11] : memref<128x256xf32, #tpu.memory_space<vmem>>, vector<128x256xf32>
    %mul3A = arith.mulf %get3A_12, %broadcast_in_dim3A_6 : vector<128x256xf32>
    %get3A_13 = arith.constant 0 : index
    %get3A_14 = arith.constant 0 : index
    %get3A_15 = vector.load %arg5[%get3A_13, %get3A_14] : memref<512x256xf32, #tpu.memory_space<vmem>>, vector<256x256xf32>
    %dot_general3A = arith.constant dense<0.000000e+00> : vector<128x256xf32>
    %dot_general3A_16 = tpu.matmul %mul3A, %get3A_15, %dot_general3A {dimension_numbers = #tpu.dot_dimension_numbers<[1], [0], [0], [1], [0, 0, 1, 1], [], []>, transpose_lhs_hint = false} : vector<128x256xf32>, vector<256x256xf32>, vector<128x256xf32> -> vector<128x256xf32>
    %get3A_17 = arith.constant 256 : index
    %get3A_18 = arith.constant 0 : index
    %get3A_19 = vector.load %arg5[%get3A_17, %get3A_18] : memref<512x256xf32, #tpu.memory_space<vmem>>, vector<256x256xf32>
    %dot_general3A_20 = arith.constant dense<0.000000e+00> : vector<128x256xf32>
    %dot_general3A_21 = tpu.matmul %get3A_9, %get3A_19, %dot_general3A_20 {dimension_numbers = #tpu.dot_dimension_numbers<[1], [0], [0], [1], [0, 0, 1, 1], [], []>, transpose_lhs_hint = false} : vector<128x256xf32>, vector<256x256xf32>, vector<128x256xf32> -> vector<128x256xf32>
    %add3A = arith.addf %dot_general3A_16, %dot_general3A_21 : vector<128x256xf32>
    %get3A_22 = arith.constant 0 : index
    %get3A_23 = arith.constant 0 : index
    %get3A_24 = vector.load %arg6[%get3A_22, %get3A_23] : memref<1x256xf32, #tpu.memory_space<vmem>>, vector<1x256xf32>
    %add3A_25 = vector.broadcast %get3A_24 : vector<1x256xf32> to vector<128x256xf32>
    %add3A_26 = arith.addf %add3A, %add3A_25 : vector<128x256xf32>
    %logistic3A = arith.negf %add3A_26 : vector<128x256xf32>
    %logistic3A_27 = math.exp %logistic3A : vector<128x256xf32>
    %logistic3A_28 = arith.constant 1.000000e+00 : f32
    %logistic3A_29 = vector.broadcast %logistic3A_28 : f32 to vector<128x256xf32>
    %logistic3A_30 = arith.addf %logistic3A_29, %logistic3A_27 : vector<128x256xf32>
    %logistic3A_31 = arith.divf %logistic3A_29, %logistic3A_30 : vector<128x256xf32>
    %mul3A_32 = arith.mulf %add3A_26, %logistic3A_31 : vector<128x256xf32>
    %mul3A_33 = arith.constant 1.66666663 : f32
    %mul3A_34 = vector.broadcast %mul3A_33 : f32 to vector<128x256xf32>
    %mul3A_35 = arith.mulf %mul3A_32, %mul3A_34 : vector<128x256xf32>
    %get3A_36 = arith.constant 0 : index
    %get3A_37 = arith.constant 0 : index
    %get3A_38 = vector.load %arg7[%get3A_36, %get3A_37] : memref<256x256xf32, #tpu.memory_space<vmem>>, vector<256x256xf32>
    %dot_general3A_39 = arith.constant dense<0.000000e+00> : vector<128x256xf32>
    %dot_general3A_40 = tpu.matmul %mul3A_35, %get3A_38, %dot_general3A_39 {dimension_numbers = #tpu.dot_dimension_numbers<[1], [0], [0], [1], [0, 0, 1, 1], [], []>, transpose_lhs_hint = false} : vector<128x256xf32>, vector<256x256xf32>, vector<128x256xf32> -> vector<128x256xf32>
    %get3A_41 = arith.constant 0 : index
    %get3A_42 = arith.constant 0 : index
    %get3A_43 = vector.load %arg8[%get3A_41, %get3A_42] : memref<1x256xf32, #tpu.memory_space<vmem>>, vector<1x256xf32>
    %add3A_44 = vector.broadcast %get3A_43 : vector<1x256xf32> to vector<128x256xf32>
    %add3A_45 = arith.addf %dot_general3A_40, %add3A_44 : vector<128x256xf32>
    %logistic3A_46 = arith.negf %add3A_45 : vector<128x256xf32>
    %logistic3A_47 = math.exp %logistic3A_46 : vector<128x256xf32>
    %logistic3A_48 = arith.constant 1.000000e+00 : f32
    %logistic3A_49 = vector.broadcast %logistic3A_48 : f32 to vector<128x256xf32>
    %logistic3A_50 = arith.addf %logistic3A_49, %logistic3A_47 : vector<128x256xf32>
    %logistic3A_51 = arith.divf %logistic3A_49, %logistic3A_50 : vector<128x256xf32>
    %mul3A_52 = arith.mulf %add3A_45, %logistic3A_51 : vector<128x256xf32>
    %mul3A_53 = arith.constant 1.66666663 : f32
    %mul3A_54 = vector.broadcast %mul3A_53 : f32 to vector<128x256xf32>
    %mul3A_55 = arith.mulf %mul3A_52, %mul3A_54 : vector<128x256xf32>
    %add3A_56 = arith.addf %get3A_9, %mul3A_55 : vector<128x256xf32>
    %get3A_57 = arith.constant 0 : index
    %get3A_58 = arith.constant 0 : index
    %get3A_59 = vector.load %arg9[%get3A_57, %get3A_58] : memref<256x256xf32, #tpu.memory_space<vmem>>, vector<256x256xf32>
    %get3A_60 = arith.constant 0 : index
    %get3A_61 = arith.constant 0 : index
    %get3A_62 = vector.load %arg10[%get3A_60, %get3A_61] : memref<256x512xf32, #tpu.memory_space<vmem>>, vector<256x512xf32>
    %get3A_63 = arith.constant 0 : index
    %get3A_64 = arith.constant 0 : index
    %get3A_65 = arith.constant 0 : index
    %get3A_66 = vector.load %arg4[%get3A_63, %get3A_64, %get3A_65] : memref<128x3x256xf32, #tpu.memory_space<vmem>>, vector<128x1x256xf32>
    %get3A_67 = vector.shape_cast %get3A_66 : vector<128x1x256xf32> to vector<128x256xf32>
    %get3A_68 = arith.constant 0 : index
    %get3A_69 = arith.constant 0 : index
    %get3A_70 = arith.constant 0 : index
    %get3A_71 = vector.load %arg1[%get3A_68, %get3A_69, %get3A_70] : memref<3x128x256xf32, #tpu.memory_space<vmem>>, vector<1x128x256xf32>
    %get3A_72 = vector.shape_cast %get3A_71 : vector<1x128x256xf32> to vector<128x256xf32>
    %mul3A_73 = arith.mulf %get3A_72, %broadcast_in_dim3A_6 : vector<128x256xf32>
    %add3A_74 = arith.addf %mul3A_73, %get3A_67 : vector<128x256xf32>
    %dot_general3A_75 = arith.constant dense<0.000000e+00> : vector<128x256xf32>
    %dot_general3A_76 = tpu.matmul %add3A_74, %get3A_59, %dot_general3A_75 {dimension_numbers = #tpu.dot_dimension_numbers<[1], [0], [0], [1], [0, 0, 1, 1], [], []>, transpose_lhs_hint = false} : vector<128x256xf32>, vector<256x256xf32>, vector<128x256xf32> -> vector<128x256xf32>
    %add3A_77 = arith.addf %get3A_67, %dot_general3A_76 : vector<128x256xf32>
    %dot_general3A_78 = arith.constant dense<0.000000e+00> : vector<128x512xf32>
    %dot_general3A_79 = tpu.matmul %add3A_77, %get3A_62, %dot_general3A_78 {dimension_numbers = #tpu.dot_dimension_numbers<[1], [0], [0], [1], [0, 0, 1, 1], [], []>, transpose_lhs_hint = false} : vector<128x256xf32>, vector<256x512xf32>, vector<128x512xf32> -> vector<128x512xf32>
    %slice3A_80 = vector.extract_strided_slice %dot_general3A_79 {offsets = [0, 0], sizes = [128, 256], strides = [1, 1]} : vector<128x512xf32> to vector<128x256xf32>
    %slice3A_81 = vector.extract_strided_slice %dot_general3A_79 {offsets = [0, 256], sizes = [128, 256], strides = [1, 1]} : vector<128x512xf32> to vector<128x256xf32>
    %get3A_82 = arith.constant 0 : index
    %get3A_83 = arith.constant 1 : index
    %get3A_84 = arith.constant 0 : index
    %get3A_85 = vector.load %arg4[%get3A_82, %get3A_83, %get3A_84] : memref<128x3x256xf32, #tpu.memory_space<vmem>>, vector<128x1x256xf32>
    %get3A_86 = vector.shape_cast %get3A_85 : vector<128x1x256xf32> to vector<128x256xf32>
    %get3A_87 = arith.constant 1 : index
    %get3A_88 = arith.constant 0 : index
    %get3A_89 = arith.constant 0 : index
    %get3A_90 = vector.load %arg1[%get3A_87, %get3A_88, %get3A_89] : memref<3x128x256xf32, #tpu.memory_space<vmem>>, vector<1x128x256xf32>
    %get3A_91 = vector.shape_cast %get3A_90 : vector<1x128x256xf32> to vector<128x256xf32>
    %mul3A_92 = arith.mulf %get3A_91, %broadcast_in_dim3A_6 : vector<128x256xf32>
    %add3A_93 = arith.addf %mul3A_92, %get3A_86 : vector<128x256xf32>
    %dot_general3A_94 = arith.constant dense<0.000000e+00> : vector<128x256xf32>
    %dot_general3A_95 = tpu.matmul %add3A_93, %get3A_59, %dot_general3A_94 {dimension_numbers = #tpu.dot_dimension_numbers<[1], [0], [0], [1], [0, 0, 1, 1], [], []>, transpose_lhs_hint = false} : vector<128x256xf32>, vector<256x256xf32>, vector<128x256xf32> -> vector<128x256xf32>
    %add3A_96 = arith.addf %get3A_86, %dot_general3A_95 : vector<128x256xf32>
    %dot_general3A_97 = arith.constant dense<0.000000e+00> : vector<128x512xf32>
    %dot_general3A_98 = tpu.matmul %add3A_96, %get3A_62, %dot_general3A_97 {dimension_numbers = #tpu.dot_dimension_numbers<[1], [0], [0], [1], [0, 0, 1, 1], [], []>, transpose_lhs_hint = false} : vector<128x256xf32>, vector<256x512xf32>, vector<128x512xf32> -> vector<128x512xf32>
    %slice3A_99 = vector.extract_strided_slice %dot_general3A_98 {offsets = [0, 0], sizes = [128, 256], strides = [1, 1]} : vector<128x512xf32> to vector<128x256xf32>
    %slice3A_100 = vector.extract_strided_slice %dot_general3A_98 {offsets = [0, 256], sizes = [128, 256], strides = [1, 1]} : vector<128x512xf32> to vector<128x256xf32>
    %get3A_101 = arith.constant 0 : index
    %get3A_102 = arith.constant 2 : index
    %get3A_103 = arith.constant 0 : index
    %get3A_104 = vector.load %arg4[%get3A_101, %get3A_102, %get3A_103] : memref<128x3x256xf32, #tpu.memory_space<vmem>>, vector<128x1x256xf32>
    %get3A_105 = vector.shape_cast %get3A_104 : vector<128x1x256xf32> to vector<128x256xf32>
    %get3A_106 = arith.constant 2 : index
    %get3A_107 = arith.constant 0 : index
    %get3A_108 = arith.constant 0 : index
    %get3A_109 = vector.load %arg1[%get3A_106, %get3A_107, %get3A_108] : memref<3x128x256xf32, #tpu.memory_space<vmem>>, vector<1x128x256xf32>
    %get3A_110 = vector.shape_cast %get3A_109 : vector<1x128x256xf32> to vector<128x256xf32>
    %mul3A_111 = arith.mulf %get3A_110, %broadcast_in_dim3A_6 : vector<128x256xf32>
    %add3A_112 = arith.addf %mul3A_111, %get3A_105 : vector<128x256xf32>
    %dot_general3A_113 = arith.constant dense<0.000000e+00> : vector<128x256xf32>
    %dot_general3A_114 = tpu.matmul %add3A_112, %get3A_59, %dot_general3A_113 {dimension_numbers = #tpu.dot_dimension_numbers<[1], [0], [0], [1], [0, 0, 1, 1], [], []>, transpose_lhs_hint = false} : vector<128x256xf32>, vector<256x256xf32>, vector<128x256xf32> -> vector<128x256xf32>
    %add3A_115 = arith.addf %get3A_105, %dot_general3A_114 : vector<128x256xf32>
    %dot_general3A_116 = arith.constant dense<0.000000e+00> : vector<128x512xf32>
    %dot_general3A_117 = tpu.matmul %add3A_115, %get3A_62, %dot_general3A_116 {dimension_numbers = #tpu.dot_dimension_numbers<[1], [0], [0], [1], [0, 0, 1, 1], [], []>, transpose_lhs_hint = false} : vector<128x256xf32>, vector<256x512xf32>, vector<128x512xf32> -> vector<128x512xf32>
    %slice3A_118 = vector.extract_strided_slice %dot_general3A_117 {offsets = [0, 0], sizes = [128, 256], strides = [1, 1]} : vector<128x512xf32> to vector<128x256xf32>
    %slice3A_119 = vector.extract_strided_slice %dot_general3A_117 {offsets = [0, 256], sizes = [128, 256], strides = [1, 1]} : vector<128x512xf32> to vector<128x256xf32>
    %mul3A_120 = arith.mulf %slice3A_81, %slice3A_81 : vector<128x256xf32>
    %mul3A_121 = arith.mulf %slice3A_100, %slice3A_100 : vector<128x256xf32>
    %add3A_122 = arith.addf %mul3A_120, %mul3A_121 : vector<128x256xf32>
    %mul3A_123 = arith.mulf %slice3A_119, %slice3A_119 : vector<128x256xf32>
    %add3A_124 = arith.addf %add3A_122, %mul3A_123 : vector<128x256xf32>
    %add3A_125 = arith.constant 9.99999993E-9 : f32
    %add3A_126 = vector.broadcast %add3A_125 : f32 to vector<128x256xf32>
    %add3A_127 = arith.addf %add3A_124, %add3A_126 : vector<128x256xf32>
    %sqrt3A = math.sqrt %add3A_127 : vector<128x256xf32>
    %get3A_128 = arith.constant 0 : index
    %get3A_129 = arith.constant 0 : index
    %get3A_130 = vector.load %arg11[%get3A_128, %get3A_129] : memref<512x256xf32, #tpu.memory_space<vmem>>, vector<256x256xf32>
    %dot_general3A_131 = arith.constant dense<0.000000e+00> : vector<128x256xf32>
    %dot_general3A_132 = tpu.matmul %add3A_56, %get3A_130, %dot_general3A_131 {dimension_numbers = #tpu.dot_dimension_numbers<[1], [0], [0], [1], [0, 0, 1, 1], [], []>, transpose_lhs_hint = false} : vector<128x256xf32>, vector<256x256xf32>, vector<128x256xf32> -> vector<128x256xf32>
    %get3A_133 = arith.constant 256 : index
    %get3A_134 = arith.constant 0 : index
    %get3A_135 = vector.load %arg11[%get3A_133, %get3A_134] : memref<512x256xf32, #tpu.memory_space<vmem>>, vector<256x256xf32>
    %dot_general3A_136 = arith.constant dense<0.000000e+00> : vector<128x256xf32>
    %dot_general3A_137 = tpu.matmul %sqrt3A, %get3A_135, %dot_general3A_136 {dimension_numbers = #tpu.dot_dimension_numbers<[1], [0], [0], [1], [0, 0, 1, 1], [], []>, transpose_lhs_hint = false} : vector<128x256xf32>, vector<256x256xf32>, vector<128x256xf32> -> vector<128x256xf32>
    %add3A_138 = arith.addf %dot_general3A_132, %dot_general3A_137 : vector<128x256xf32>
    %get3A_139 = arith.constant 0 : index
    %get3A_140 = arith.constant 0 : index
    %get3A_141 = vector.load %arg12[%get3A_139, %get3A_140] : memref<1x256xf32, #tpu.memory_space<vmem>>, vector<1x256xf32>
    %add3A_142 = vector.broadcast %get3A_141 : vector<1x256xf32> to vector<128x256xf32>
    %add3A_143 = arith.addf %add3A_138, %add3A_142 : vector<128x256xf32>
    %logistic3A_144 = arith.negf %add3A_143 : vector<128x256xf32>
    %logistic3A_145 = math.exp %logistic3A_144 : vector<128x256xf32>
    %logistic3A_146 = arith.constant 1.000000e+00 : f32
    %logistic3A_147 = vector.broadcast %logistic3A_146 : f32 to vector<128x256xf32>
    %logistic3A_148 = arith.addf %logistic3A_147, %logistic3A_145 : vector<128x256xf32>
    %logistic3A_149 = arith.divf %logistic3A_147, %logistic3A_148 : vector<128x256xf32>
    %mul3A_150 = arith.mulf %add3A_143, %logistic3A_149 : vector<128x256xf32>
    %mul3A_151 = arith.constant 1.66666663 : f32
    %mul3A_152 = vector.broadcast %mul3A_151 : f32 to vector<128x256xf32>
    %mul3A_153 = arith.mulf %mul3A_150, %mul3A_152 : vector<128x256xf32>
    %get3A_154 = arith.constant 0 : index
    %get3A_155 = arith.constant 0 : index
    %get3A_156 = vector.load %arg13[%get3A_154, %get3A_155] : memref<256x768xf32, #tpu.memory_space<vmem>>, vector<256x768xf32>
    %dot_general3A_157 = arith.constant dense<0.000000e+00> : vector<128x768xf32>
    %dot_general3A_158 = tpu.matmul %mul3A_153, %get3A_156, %dot_general3A_157 {dimension_numbers = #tpu.dot_dimension_numbers<[1], [0], [0], [1], [0, 0, 1, 1], [], []>, transpose_lhs_hint = false} : vector<128x256xf32>, vector<256x768xf32>, vector<128x768xf32> -> vector<128x768xf32>
    %get3A_159 = arith.constant 0 : index
    %get3A_160 = arith.constant 0 : index
    %get3A_161 = vector.load %arg14[%get3A_159, %get3A_160] : memref<1x768xf32, #tpu.memory_space<vmem>>, vector<1x768xf32>
    %add3A_162 = vector.broadcast %get3A_161 : vector<1x768xf32> to vector<128x768xf32>
    %add3A_163 = arith.addf %dot_general3A_158, %add3A_162 : vector<128x768xf32>
    %slice3A_164 = vector.extract_strided_slice %add3A_163 {offsets = [0, 0], sizes = [128, 256], strides = [1, 1]} : vector<128x768xf32> to vector<128x256xf32>
    %slice3A_165 = vector.extract_strided_slice %add3A_163 {offsets = [0, 256], sizes = [128, 256], strides = [1, 1]} : vector<128x768xf32> to vector<128x256xf32>
    %slice3A_166 = vector.extract_strided_slice %add3A_163 {offsets = [0, 512], sizes = [128, 256], strides = [1, 1]} : vector<128x768xf32> to vector<128x256xf32>
    %tanh3A = math.tanh %slice3A_166 : vector<128x256xf32>
    %mul3A_167 = arith.mulf %add3A_56, %tanh3A : vector<128x256xf32>
    %add3A_168 = arith.addf %slice3A_165, %mul3A_167 : vector<128x256xf32>
    %swap3A = arith.constant 0 : index
    %swap3A_169 = arith.constant 0 : index
    %swap3A_170 = vector.load %arg16[%swap3A, %swap3A_169] : memref<128x256xf32, #tpu.memory_space<vmem>>, vector<128x256xf32>
    tpu.vector_store %arg16[%swap3A, %swap3A_169], %add3A_168 {strides = array<i32>} : memref<128x256xf32, #tpu.memory_space<vmem>>, vector<128x256xf32>,
    %get3A_171 = arith.constant 0 : index
    %get3A_172 = arith.constant 0 : index
    %get3A_173 = vector.load %arg15[%get3A_171, %get3A_172] : memref<1x256xf32, #tpu.memory_space<vmem>>, vector<1x256xf32>
    %mul3A_174 = arith.mulf %slice3A_164, %slice3A_80 : vector<128x256xf32>
    %add3A_175 = arith.addf %mul3A_174, %add3A_77 : vector<128x256xf32>
    %swap3A_176 = arith.constant 0 : index
    %swap3A_177 = arith.constant 0 : index
    %swap3A_178 = arith.constant 0 : index
    %swap3A_179 = vector.load %arg17[%swap3A_176, %swap3A_177, %swap3A_178] : memref<128x3x256xf32, #tpu.memory_space<vmem>>, vector<128x1x256xf32>
    %swap3A_180 = vector.shape_cast %swap3A_179 : vector<128x1x256xf32> to vector<128x256xf32>
    %swap3A_181 = vector.shape_cast %add3A_175 : vector<128x256xf32> to vector<128x1x256xf32>
    tpu.vector_store %arg17[%swap3A_176, %swap3A_177, %swap3A_178], %swap3A_181 {strides = array<i32>} : memref<128x3x256xf32, #tpu.memory_space<vmem>>, vector<128x1x256xf32>,
    %mul3A_182 = vector.broadcast %get3A_173 : vector<1x256xf32> to vector<128x256xf32>
    %mul3A_183 = arith.mulf %add3A_175, %mul3A_182 : vector<128x256xf32>
    %reduce_sum3A = arith.constant dense<0.000000e+00> : vector<128xf32>
    %reduce_sum3A_184 = vector.multi_reduction <add>, %mul3A_183, %reduce_sum3A [1] : vector<128x256xf32> to vector<128xf32>
    %broadcast_in_dim3A_185 = vector.shape_cast %reduce_sum3A_184 : vector<128xf32> to vector<128x1xf32>
    %mul3A_186 = arith.mulf %slice3A_164, %slice3A_99 : vector<128x256xf32>
    %add3A_187 = arith.addf %mul3A_186, %add3A_96 : vector<128x256xf32>
    %swap3A_188 = arith.constant 0 : index
    %swap3A_189 = arith.constant 1 : index
    %swap3A_190 = arith.constant 0 : index
    %swap3A_191 = vector.load %arg17[%swap3A_188, %swap3A_189, %swap3A_190] : memref<128x3x256xf32, #tpu.memory_space<vmem>>, vector<128x1x256xf32>
    %swap3A_192 = vector.shape_cast %swap3A_191 : vector<128x1x256xf32> to vector<128x256xf32>
    %swap3A_193 = vector.shape_cast %add3A_187 : vector<128x256xf32> to vector<128x1x256xf32>
    tpu.vector_store %arg17[%swap3A_188, %swap3A_189, %swap3A_190], %swap3A_193 {strides = array<i32>} : memref<128x3x256xf32, #tpu.memory_space<vmem>>, vector<128x1x256xf32>,
    %mul3A_194 = vector.broadcast %get3A_173 : vector<1x256xf32> to vector<128x256xf32>
    %mul3A_195 = arith.mulf %add3A_187, %mul3A_194 : vector<128x256xf32>
    %reduce_sum3A_196 = arith.constant dense<0.000000e+00> : vector<128xf32>
    %reduce_sum3A_197 = vector.multi_reduction <add>, %mul3A_195, %reduce_sum3A_196 [1] : vector<128x256xf32> to vector<128xf32>
    %broadcast_in_dim3A_198 = vector.shape_cast %reduce_sum3A_197 : vector<128xf32> to vector<128x1xf32>
    %mul3A_199 = arith.mulf %slice3A_164, %slice3A_118 : vector<128x256xf32>
    %add3A_200 = arith.addf %mul3A_199, %add3A_115 : vector<128x256xf32>
    %swap3A_201 = arith.constant 0 : index
    %swap3A_202 = arith.constant 2 : index
    %swap3A_203 = arith.constant 0 : index
    %swap3A_204 = vector.load %arg17[%swap3A_201, %swap3A_202, %swap3A_203] : memref<128x3x256xf32, #tpu.memory_space<vmem>>, vector<128x1x256xf32>
    %swap3A_205 = vector.shape_cast %swap3A_204 : vector<128x1x256xf32> to vector<128x256xf32>
    %swap3A_206 = vector.shape_cast %add3A_200 : vector<128x256xf32> to vector<128x1x256xf32>
    tpu.vector_store %arg17[%swap3A_201, %swap3A_202, %swap3A_203], %swap3A_206 {strides = array<i32>} : memref<128x3x256xf32, #tpu.memory_space<vmem>>, vector<128x1x256xf32>,
    %mul3A_207 = vector.broadcast %get3A_173 : vector<1x256xf32> to vector<128x256xf32>
    %mul3A_208 = arith.mulf %add3A_200, %mul3A_207 : vector<128x256xf32>
    %reduce_sum3A_209 = arith.constant dense<0.000000e+00> : vector<128xf32>
    %reduce_sum3A_210 = vector.multi_reduction <add>, %mul3A_208, %reduce_sum3A_209 [1] : vector<128x256xf32> to vector<128xf32>
    %broadcast_in_dim3A_211 = vector.shape_cast %reduce_sum3A_210 : vector<128xf32> to vector<128x1xf32>
    %concatenate3A = tpu.concatenate %broadcast_in_dim3A_185, %broadcast_in_dim3A_198, %broadcast_in_dim3A_211 in 1 : vector<128x1xf32>, vector<128x1xf32>, vector<128x1xf32> -> vector<128x3xf32>
    %swap3A_212 = arith.constant 0 : index
    %swap3A_213 = arith.constant 0 : index
    %swap3A_214 = vector.load %arg18[%swap3A_212, %swap3A_213] : memref<128x3xf32, #tpu.memory_space<vmem>>, vector<128x3xf32>
    tpu.vector_store %arg18[%swap3A_212, %swap3A_213], %concatenate3A {strides = array<i32>} : memref<128x3xf32, #tpu.memory_space<vmem>>, vector<128x3xf32>,
    return
  }
}

</mosaic_0001>

<sc_bundles>
// kernel: kernel.5.cloned.1.call-start
scs
__scs_entry_jumppad:
0x0: {  	(pc) =	sbr.rel $0x88, $3  }
0x1: {  	(tag) =	ssettag $0x0;
	lr =	simm.s32 $0x1  }
0x2: {  	[smem:$0x3F84] =	sst lr;
	_ =	strace $0xD0000000  }
0x3: {  	_ = 	snop  }
0x4: {  	_ = 	snop  }
0x5: {  	_ = 	snop  }
0x6: {  	_ = 	snop  }
0x7: {  	_ = 	snop  }
__scs_overlays_trampoline_lowered:
0x8: {  	[smem:$0x3F93] =	sst s0  }
0x9: {  	[smem:$0x3F94] =	sst s1  }
0xa: {  	[smem:$0x3F95] =	sst s2  }
0xb: {  	[smem:$0x3F96] =	sst s3  }
0xc: {  	[smem:$0x3F97] =	sst s4  }
0xd: {  	[smem:$0x3F98] =	sst s5  }
0xe: {  	[smem:$0x3F99] =	sst s6  }
0xf: {  	[smem:$0x3F9A] =	sst s7  }
0x10: {  	[smem:$0x3F9B] =	sst s8  }
0x11: {  	[smem:$0x3F9C] =	sst s9;
	s0 =	simm.s32 @!p0 $0x0  }
0x12: {  	s1 =	sld [smem:$0x3F82];
	s0 =	simm.s32 @p0 $0x1  }
0x13: {  	[smem:$0x3F9D] =	sst s0;
	s0 =	simm.s32 @!p1 $0x0  }
0x14: {  	s2 =	sld [smem:$0x3F81];
	s0 =	simm.s32 @p1 $0x1  }
0x15: {  	[smem:$0x3F9E] =	sst s0;
	s0 =	simm.s32 @!p2 $0x0  }
0x16: {  	s3 =	sld [smem:$0x3FDB];
	s0 =	simm.s32 @p2 $0x1  }
0x17: {  	s4 =	simm.s32 $0x1BF5;
	[smem:$0x3FA0] =	sst s0  }
0x18: {  	s0 =	sld [smem:$0x3F83];
	_ =	swait.ge [sflag:s4], $0x0  }
0x19: {  	s7 =	sld [smem:$0x3F84]  }
0x1a: {  	s8 =	sadd.s32 $0xFFFFE003, lr  }
0x1b: {  	s9 =	sadd.s32 $0xFFFFFEF7, lr;
	s5 =	simm.s32 $0xFFFFFFFF;
	p2 =	slt.u32 s8, $0xFFFFF086  }
0x1c: {  	p1 =	slt.u32 s9, $0xF7A;
	s5 =	simm.s32 @!p2 $0x0  }
0x1d: {  	s5 =	simm.s32 @p1 $0x1;
	p0 =	seq.s32 s7, s2  }
0x1e: {  	s7 =	smul.u32 @!p0 $0xF7A, s2;
	p2 =	seq.s32 @!p0 s5, $0x0  }
0x1f: {  	s9 =	smul.u32 $0xF7A, s1;
	s8 =	simm.s32 @!p0 $0x1BF5;
	p2 =	por !p2, p0  }
0x20: {  	[sflag:s8] =	ssyncset.s32 @!p0 $0xFFFFF086;
	s6 =	sadd.s32 @!p0 s3, s7;
	s7 =	simm.s32 @!p0 $0x108  }
0x21: {  	s3 =	sadd.s32 s3, s9;
	s6 =	sadd.s32 @!p0 $0x88, s6;
	s7 =	simm.s32 @p2 $0x1082  }
0x22: {  	[simem:s7], [sflag:s8] =	dma.local @!p0 [hbm:s6], $0xF7A  }
0x23: {  	s9 =	sor.u32 $0xD0000000, s2;
	s6 =	simm.s32 $0x108;
	_ =	swait.ge @!p0 [sflag:s8], $0x0  }
0x24: {  	s3 =	sadd.s32 $0x88, s3;
	s6 =	simm.s32 @!p1 $0x1082;
	[sflag:s4] =	ssyncset.s32 $0xFFFFF086  }
0x25: {  	[simem:s6], [sflag:s4] =	dma.local [hbm:s3], $0xF7A  }
0x26: {  	[smem:$0x3F84] =	sst s1;
	(tag) =	ssettag s2;
	_ =	strace s9  }
0x27: {  	s1 =	sld [smem:$0x3F94]  }
0x28: {  	s2 =	sld [smem:$0x3F95]  }
0x29: {  	s4 =	sld [smem:$0x3F97]  }
0x2a: {  	p0 =	seq.s32 s5, $0x0;
	s5 =	sld [smem:$0x3F98]  }
0x2b: {  	s6 =	sld [smem:$0x3F99]  }
0x2c: {  	s7 =	sld [smem:$0x3F9A]  }
0x2d: {  	s3 =	simm.s32 $0x108;
	s8 =	sld [smem:$0x3F9B]  }
0x2e: {  	s3 =	simm.s32 @!p0 $0x1082;
	s9 =	sld [smem:$0x3F9C]  }
0x2f: {  	lr =	sadd.s32 s0, s3;
	s0 =	sld [smem:$0x3F93]  }
0x30: {  	s3 =	sld [smem:$0x3F96]  }
0x31: {  	[smem:$0x3F9F] =	sst s10  }
0x32: {  	s10 =	sld [smem:$0x3F9D];
	_ =	sdelay $0x3  }
0x33: {  	p0 =	seq.s32 s10, $0x1;
	s10 =	sld [smem:$0x3F9F];
	_ =	sdelay $0x3  }
0x34: {  	[smem:$0x3F9F] =	sst s10  }
0x35: {  	s10 =	sld [smem:$0x3F9E];
	_ =	sdelay $0x3  }
0x36: {  	p1 =	seq.s32 s10, $0x1;
	s10 =	sld [smem:$0x3F9F];
	_ =	sdelay $0x3  }
0x37: {  	[smem:$0x3F9F] =	sst s10  }
0x38: {  	s10 =	sld [smem:$0x3FA0]  }
0x39: {  	_ = 	snop;
	(pc) =	sbr.ind lr, $3  }
0x3a: {  	_ = 	snop  }
0x3b: {  	_ = 	snop  }
0x3c: {  	p2 =	seq.s32 s10, $0x1;
	s10 =	sld [smem:$0x3F9F]  }
0x3d: {  	_ =	shalt  }
0x3e: {  	_ =	shalt  }
0x3f: {  	_ =	shalt  }
0x40: {  	_ =	shalt  }
0x41: {  	_ =	shalt  }
0x42: {  	_ =	shalt  }
0x43: {  	_ =	shalt  }
0x44: {  	_ =	shalt  }
0x45: {  	_ =	shalt  }
0x46: {  	_ =	shalt  }
0x47: {  	_ =	shalt  }
0x48: {  	_ =	shalt  }
0x49: {  	_ =	shalt  }
0x4a: {  	_ =	shalt  }
0x4b: {  	_ =	shalt  }
0x4c: {  	_ =	shalt  }
0x4d: {  	_ =	shalt  }
0x4e: {  	_ =	shalt  }
0x4f: {  	_ =	shalt  }
0x50: {  	_ =	shalt  }
0x51: {  	_ =	shalt  }
0x52: {  	_ =	shalt  }
0x53: {  	_ =	shalt  }
0x54: {  	_ =	shalt  }
0x55: {  	_ =	shalt  }
0x56: {  	_ =	shalt  }
0x57: {  	_ =	shalt  }
0x58: {  	_ =	shalt  }
0x59: {  	_ =	shalt  }
0x5a: {  	_ =	shalt  }
0x5b: {  	_ =	shalt  }
0x5c: {  	_ =	shalt  }
0x5d: {  	_ =	shalt  }
0x5e: {  	_ =	shalt  }
0x5f: {  	_ =	shalt  }
0x60: {  	_ =	shalt  }
0x61: {  	_ =	shalt  }
0x62: {  	_ =	shalt  }
0x63: {  	_ =	shalt  }
0x64: {  	_ =	shalt  }
0x65: {  	_ =	shalt  }
0x66: {  	_ =	shalt  }
0x67: {  	_ =	shalt  }
0x68: {  	_ =	shalt  }
0x69: {  	_ =	shalt  }
0x6a: {  	_ =	shalt  }
0x6b: {  	_ =	shalt  }
0x6c: {  	_ =	shalt  }
0x6d: {  	_ =	shalt  }
0x6e: {  	_ =	shalt  }
0x6f: {  	_ =	shalt  }
0x70: {  	_ =	shalt  }
0x71: {  	_ =	shalt  }
0x72: {  	_ =	shalt  }
0x73: {  	_ =	shalt  }
0x74: {  	_ =	shalt  }
0x75: {  	_ =	shalt  }
0x76: {  	_ =	shalt  }
0x77: {  	_ =	shalt  }
0x78: {  	_ =	shalt  }
0x79: {  	_ =	shalt  }
0x7a: {  	_ =	shalt  }
0x7b: {  	_ =	shalt  }
0x7c: {  	_ =	shalt  }
0x7d: {  	_ =	shalt  }
0x7e: {  	_ =	shalt  }
0x7f: {  	_ =	shalt  }
0x80: {  	_ =	shalt  }
0x81: {  	_ =	shalt  }
0x82: {  	_ =	shalt  }
0x83: {  	_ =	shalt  }
0x84: {  	_ =	shalt  }
0x85: {  	_ =	shalt  }
0x86: {  	_ =	shalt  }
0x87: {  	_ =	shalt  }
.Lfunc_end0:
.L_simem_size_0:
called_computation_lowered:
.L_overlay_start_0:
0x88: {  	s2 =	sld [smem:$0x3FD9]  }
0x89: {  	s3 =	sld [smem:$0x3FFE];
	_ =	sdelay $0x1  }
0x8a: {  	s1 =	srdreg.scid  }
0x8b: {  	s0 =	sand.u32 $0x1, s1  }
0x8c: {  	s15 =	sshll.u32 s0, $0xA;
	s2 =	sadd.s32 s3, s2  }
0x8d: {  	s2 =	sadd.s32 s2, s15  }
0x8e: {  	[smem:$0x3FAB] =	sst s2  }
0x8f: {  	_ = 	snop  }
0x90: {  	s2 =	sld [smem:$0x3FD0];
	_ =	sdelay $0x2  }
0x91: {  	s4 =	simm.s32 $0xA;
	s5 =	simm.s32 $0x10;
	s16 =	sld [smem:$0x3FC8]  }
0x92: {  	[smem:s5], [sflag:s4] =	dma.local [hbm:s2], $0x1  }
0x93: {  	_ =	swait.eq [sflag:s4], $0x1  }
0x94: {  	[sflag:s4] =	ssyncset.done $0x0  }
0x95: {  	s17 =	sld [smem:$0x11];
	[sflag:s4] =	ssyncadd.s32 $0xFFFFFFFF  }
0x96: {  	s18 =	sld [smem:$0x12];
	(tm) =	ssettm $0x1  }
0x97: {  	s19 =	sld [smem:$0x3FFB];
	_ =	sdelay $0x3  }
0x98: {  	_ =	strace s19  }
0x99: {  	s5 =	sld [smem:$0x3FFC];
	_ =	sdelay $0x3  }
0x9a: {  	_ =	strace s5  }
0x9b: {  	s5 =	sld [smem:$0x3FFD];
	_ =	sdelay $0x3  }
0x9c: {  	_ =	strace s5  }
0x9d: {  	_ =	strace $0x8FFFFFFF  }
0x9e: {  	s20 =	sld [smem:$0x3FDB];
	_ =	sdelay $0x1  }
0x9f: {  	s6 =	simm.s32 $_scs_section_size  }
0xa0: {  	s7 =	simm.s32 $_size__tile_overlayer_lowered;
	s8 =	simm.s32 $_tile_overlayer_lowered  }
0xa1: {  	s23 =	simm.s32 $0x1BFF;
	s22 =	sshll.u32 s8, $0x1;
	s5 =	sadd.s32 s6, s20  }
0xa2: {  	s9 =	simm.s32 $0x0;
	s21 =	sshll.u32 s7, $0x1;
	s7 =	sadd.s32 s22, s5  }
0xa3: {  	[timem:s9], [sflag:s23] =	dma.local [hbm:s7], s21  }
0xa4: {  	_ =	swait.ge [sflag:s23], s21  }
0xa5: {  	s6 =	ssub.s32 $0x0, s21;
	[sflag:s23] =	ssyncset.done $0x0  }
0xa6: {  	[sflag:s23] =	ssyncadd.s32 s6;
	_ =	sdelay $0x1  }
0xa7: {  	s24 =	simm.s32 $0x1B8B  }
0xa8: {  	_ =	swait.ge [sflag:s24], $0x1  }
0xa9: {  	[sflag:s24] =	ssyncset.done $0x0  }
0xaa: {  	s25 =	simm.s32 $0x1B8E;
	[sflag:s24] =	ssyncadd.s32 $0xFFFFFFFF  }
0xab: {  	s26 =	simm.s32 $execute0_lowered;
	[smem:$0x3FD2] =	sst s25  }
0xac: {  	s6 =	sshll.u32 s26, $0x1;
	_ =	strace $0x80000046;
	[dreg:$0x1] =	wrdreg $0xFFFFFFFF  }
0xad: {  	s28 =	simm.s32 $_size_execute0_lowered;
	s5 =	sadd.s32 s5, s6;
	[dreg:$0x0] =	wrdreg $0x0  }
0xae: {  	s6 =	sshll.u32 s28, $0x1;
	[dreg:$0x2] =	wrdreg s5  }
0xaf: {  	[dreg:$0x3] =	wrdreg s6  }
0xb0: {  	[dreg:$0x4] =	wrdreg $0xC0  }
0xb1: {  	_ =	task [dreg:s9], $0x5FFFF  }
0xb2: {  	[dreg:$0x1] =	wrdreg $0xFFFFFFFF  }
0xb3: {  	[dreg:$0x0] =	wrdreg $0x60  }
0xb4: {  	[dreg:$0x2] =	wrdreg s16  }
0xb5: {  	[dreg:$0x3] =	wrdreg s18  }
0xb6: {  	[dreg:$0x4] =	wrdreg s17  }
0xb7: {  	[dreg:$0x5] =	wrdreg $0x9  }
0xb8: {  	_ =	task.clear_ibuf [dreg:s9], $0x6FFFF;
	_ =	strace $0x90000046  }
0xb9: {  	s29 =	simm.s32 $0x9;
	_ =	strace $0x80000048  }
0xba: {  	_ =	swait.ge [sflag:s29], $0x1  }
0xbb: {  	[sflag:s29] =	ssyncadd.s32 $0xFFFFFFFF  }
0xbc: {  	_ =	strace $0x90000048  }
0xbd: {  	_ =	sfence  }
0xbe: {  	s30 =	sld [smem:$0x0];
	_ =	sdelay $0x2  }
0xbf: {  	s31 =	sshll.u32 s1, $0xD;
	s1 =	sshrl.u32 s1, $0x2  }
0xc0: {  	s3 =	sand.u32 $0x4000, s31;
	s1 =	sadd.s32 s1, s30  }
0xc1: {  	s0 =	sor.u32 s3, s0;
	s1 =	sshll.u32 s1, $0x11  }
0xc2: {  	s0 =	sor.u32 s1, s0  }
0xc3: {  	s0 =	sadd.s32 $0x8F2B, s0  }
0xc4: {  	[sflag:s0] =	ssyncadd.remote.s32 $0x1  }
0xc5: {  	_ =	sfence.sel $0xFFFF  }
0xc6: {  	[dreg:$0x0] =	wrdreg $0xFFFFFFFF;
	(pc) =	sbr.abs _section_cstart, $3  }
0xc7: {  	[dreg:$0x1] =	wrdreg $0xFFFFFFFF  }
0xc8: {  	_ =	task.clear_ibuf [dreg:s9], $0x2FFFF;
	_ =	strace $0x9FFFFFFF  }
0xc9: {  	(tm) =	ssettm $0x7FFFFFFF  }
tec
execute0_lowered:
.L_overlay_start_1:
0x0: {  	(tag) =	ssettag $0x1  }
0x1: {  	s1 =	rddreg [dreg:$0x0]  }
0x2: {  	s2 =	srdreg.scid;
	s0 =	stileid.u32  }
0x3: {  	s4 =	rddreg [dreg:$0x1];
	s2 =	sand.u32 $0x1, s2;
	s3 =	sshll.u32 s0, $0x1  }
0x4: {  	s5 =	rddreg [dreg:$0x2];
	s6 =	sor.u32 s2, s3;
	s3 =	simm.s32 $0x0  }
0x5: {  	s11 =	simm.s32 $0x980;
	[smem:$0x7FF] =	sst s3  }
0x6: {  	s12 =	simm.s32 $0x1180;
	_ =	strace $0x80000047;
	[dreg:$0x6] =	wrdreg s11  }
0x7: {  	s13 =	simm.s32 $0x1980;
	[dreg:$0x7] =	wrdreg s12  }
0x8: {  	s14 =	simm.s32 $0x2180;
	[dreg:$0x8] =	wrdreg s13  }
0x9: {  	s15 =	simm.s32 $0x2980;
	[dreg:$0x9] =	wrdreg s14  }
0xa: {  	s16 =	simm.s32 $0x3180;
	s17 =	simm.s32 $0x3980;
	[dreg:$0xa] =	wrdreg s15  }
0xb: {  	s18 =	simm.s32 $0x4180;
	s19 =	simm.s32 $0x4980;
	[dreg:$0xb] =	wrdreg s16  }
0xc: {  	s20 =	simm.s32 $0x5180;
	s21 =	simm.s32 $0x5980;
	[dreg:$0xc] =	wrdreg s17  }
0xd: {  	s23 =	simm.s32 $0x6180;
	s24 =	simm.s32 $0x6980;
	[dreg:$0xd] =	wrdreg s18  }
0xe: {  	s25 =	simm.s32 $0x7180;
	s26 =	simm.s32 $0x7980;
	[dreg:$0xe] =	wrdreg s19  }
0xf: {  	s9 =	simm.s32 $0x8980;
	s28 =	simm.s32 $0x11980;
	[dreg:$0xf] =	wrdreg s20  }
0x10: {  	s29 =	simm.s32 $0x12180;
	s30 =	simm.s32 $0x12980;
	[dreg:$0x10] =	wrdreg s21  }
0x11: {  	s31 =	simm.s32 $0x13180;
	s2 =	ssub.s32 $0x2, s2;
	[dreg:$0x11] =	wrdreg s23  }
0x12: {  	s7 =	smul.u32 $0x28, s6;
	s22 =	sshrl.u32 s2, $0x1;
	[dreg:$0x12] =	wrdreg s24  }
0x13: {  	s6 =	smul.u32 $0x2800, s6;
	s2 =	ssub.s32 s2, s22;
	[dreg:$0x13] =	wrdreg s25  }
0x14: {  	[dreg:$0x14] =	wrdreg s26;
	s11 =	simm.s32 $0x9980;
	s12 =	simm.s32 $0xA180  }
0x15: {  	s13 =	simm.s32 $0xA980;
	s14 =	simm.s32 $0xB180;
	s15 =	simm.s32 $0xB980  }
0x16: {  	s16 =	simm.s32 $0xC180;
	s17 =	simm.s32 $0xC980;
	s18 =	simm.s32 $0xD180  }
0x17: {  	s19 =	simm.s32 $0xD980;
	s20 =	simm.s32 $0xE180;
	s21 =	simm.s32 $0xE980  }
0x18: {  	s22 =	simm.s32 $0xF180;
	s23 =	simm.s32 $0xF980;
	s24 =	simm.s32 $0x10180  }
0x19: {  	s25 =	simm.s32 $0x10980;
	s26 =	simm.s32 $0x11180;
	s4 =	sadd.s32 s4, s7  }
0x1a: {  	v2 =	vlaneseq.u32;
	s10 =	sadd.s32 s5, s6;
	s5 =	simm.s32 $0x2;
	[dreg:$0x4] =	wrdreg s4  }
0x1b: {  	vm0 =	vmmov $0xffff;
	v1 =	vshrl.u32 v2, $0x3;
	s6 =	simm.s32 $0x180;
	s7 =	simm.s32 $0x1;
	[dreg:$0x5] =	wrdreg s10  }
0x1c: {  	v0 =	vand.u32 $0x7, v2;
	v2 =	vor.u32 $0x8, v2;
	v1 =	vmul.u32 $0x8, v1;
	s4 =	smax.u32 s2, $0x1;
	s10 =	simm.s32 $0x9180;
	s2 =	simm.s32 $0x13980  }
.LBB2_1:
0x1d: {  	s0 =	rddreg [dreg:$0x4]  }
0x1e: {  	[tilespmem:s3], [sflag:$0x2] =	stream.linear.gather [hbm4b:s0+s3], $0x140, $0x38;
	[tilespmem:$0x14180] =	vst v63  }
0x1f: {  	_ =	swait.ge [sflag:s5], $0x140  }
0x20: {  	[sflag:s5] =	ssyncset.done $0x0  }
0x21: {  	[sflag:s5] =	ssyncadd.s32 $0xFFFFFEC0  }
0x22: {  	v3 =	vld [tilespmem:$0x0];
	_ =	sdelay $0x4  }
0x23: {  	v4 =	vshll.u32 v3, $0x1  }
0x24: {  	v3 =	vand.u32 $0x7, v3;
	v4 =	vand.u32 $0xFFFFFFF0, v4  }
0x25: {  	v3 =	vor.u32 v3, v4  }
0x26: {  	v4 =	vperm.xlane v3, v0;
	_ =	sdelay $0x1  }
0x27: {  	v3 =	vperm.xlane v3, v2;
	v4 =	vadd.s32 v1, v4;
	_ =	sdelay $0x1  }
0x28: {  	v3 =	vadd.s32 v1, v3;
	_ =	sdelay $0x2  }
0x29: {  	[tilespmem:s6], [sflag:$0x1] =	stream.indirect_vreg.gather [hbm4b:s1+s3], $0x80, v4, vm0, $0xb8;
	[tilespmem:$0x14180] =	vst v63  }
0x2a: {  	s8 =	rddreg [dreg:$0x6]  }
0x2b: {  	[tilespmem:s8], [sflag:$0x1] =	stream.indirect_vreg.gather [hbm4b:s1+s3], $0x80, v3, vm0, $0xb8;
	[tilespmem:$0x14180] =	vst v63  }
0x2c: {  	v3 =	vld [tilespmem:$0x10];
	_ =	sdelay $0x4  }
0x2d: {  	v45 =	vshll.u32 v3, $0x1  }
0x2e: {  	v3 =	vand.u32 $0x7, v3;
	v4 =	vand.u32 $0xFFFFFFF0, v45  }
0x2f: {  	v3 =	vor.u32 v3, v4  }
0x30: {  	v4 =	vperm.xlane v3, v0;
	_ =	sdelay $0x1  }
0x31: {  	v3 =	vperm.xlane v3, v2;
	v4 =	vadd.s32 v1, v4;
	_ =	sdelay $0x1  }
0x32: {  	v3 =	vadd.s32 v1, v3;
	_ =	sdelay $0x1  }
0x33: {  	s0 =	rddreg [dreg:$0x7]  }
0x34: {  	[tilespmem:s0], [sflag:$0x1] =	stream.indirect_vreg.gather [hbm4b:s1+s3], $0x80, v4, vm0, $0xb8;
	[tilespmem:$0x14180] =	vst v63  }
0x35: {  	s8 =	rddreg [dreg:$0x8]  }
0x36: {  	[tilespmem:s8], [sflag:$0x1] =	stream.indirect_vreg.gather [hbm4b:s1+s3], $0x80, v3, vm0, $0xb8;
	[tilespmem:$0x14180] =	vst v63  }
0x37: {  	v3 =	vld [tilespmem:$0x20];
	_ =	sdelay $0x4  }
0x38: {  	v46 =	vshll.u32 v3, $0x1  }
0x39: {  	v3 =	vand.u32 $0x7, v3;
	v4 =	vand.u32 $0xFFFFFFF0, v46  }
0x3a: {  	v3 =	vor.u32 v3, v4  }
0x3b: {  	v4 =	vperm.xlane v3, v0;
	_ =	sdelay $0x1  }
0x3c: {  	v3 =	vperm.xlane v3, v2;
	v4 =	vadd.s32 v1, v4;
	_ =	sdelay $0x1  }
0x3d: {  	v3 =	vadd.s32 v1, v3;
	_ =	sdelay $0x1  }
0x3e: {  	s0 =	rddreg [dreg:$0x9]  }
0x3f: {  	[tilespmem:s0], [sflag:$0x1] =	stream.indirect_vreg.gather [hbm4b:s1+s3], $0x80, v4, vm0, $0xb8;
	[tilespmem:$0x14180] =	vst v63  }
0x40: {  	s8 =	rddreg [dreg:$0xa]  }
0x41: {  	[tilespmem:s8], [sflag:$0x1] =	stream.indirect_vreg.gather [hbm4b:s1+s3], $0x80, v3, vm0, $0xb8;
	[tilespmem:$0x14180] =	vst v63  }
0x42: {  	v3 =	vld [tilespmem:$0x30];
	_ =	sdelay $0x4  }
0x43: {  	v47 =	vshll.u32 v3, $0x1  }
0x44: {  	v3 =	vand.u32 $0x7, v3;
	v4 =	vand.u32 $0xFFFFFFF0, v47  }
0x45: {  	v3 =	vor.u32 v3, v4  }
0x46: {  	v4 =	vperm.xlane v3, v0;
	_ =	sdelay $0x1  }
0x47: {  	v3 =	vperm.xlane v3, v2;
	v4 =	vadd.s32 v1, v4;
	_ =	sdelay $0x1  }
0x48: {  	v3 =	vadd.s32 v1, v3;
	_ =	sdelay $0x1  }
0x49: {  	s0 =	rddreg [dreg:$0xb]  }
0x4a: {  	[tilespmem:s0], [sflag:$0x1] =	stream.indirect_vreg.gather [hbm4b:s1+s3], $0x80, v4, vm0, $0xb8;
	[tilespmem:$0x14180] =	vst v63  }
0x4b: {  	s8 =	rddreg [dreg:$0xc]  }
0x4c: {  	[tilespmem:s8], [sflag:$0x1] =	stream.indirect_vreg.gather [hbm4b:s1+s3], $0x80, v3, vm0, $0xb8;
	[tilespmem:$0x14180] =	vst v63  }
0x4d: {  	v3 =	vld [tilespmem:$0x40];
	_ =	sdelay $0x4  }
0x4e: {  	v48 =	vshll.u32 v3, $0x1  }
0x4f: {  	v3 =	vand.u32 $0x7, v3;
	v4 =	vand.u32 $0xFFFFFFF0, v48  }
0x50: {  	v3 =	vor.u32 v3, v4  }
0x51: {  	v4 =	vperm.xlane v3, v0;
	_ =	sdelay $0x1  }
0x52: {  	v3 =	vperm.xlane v3, v2;
	v4 =	vadd.s32 v1, v4;
	_ =	sdelay $0x1  }
0x53: {  	v3 =	vadd.s32 v1, v3;
	_ =	sdelay $0x1  }
0x54: {  	s0 =	rddreg [dreg:$0xd]  }
0x55: {  	[tilespmem:s0], [sflag:$0x1] =	stream.indirect_vreg.gather [hbm4b:s1+s3], $0x80, v4, vm0, $0xb8;
	[tilespmem:$0x14180] =	vst v63  }
0x56: {  	s8 =	rddreg [dreg:$0xe]  }
0x57: {  	[tilespmem:s8], [sflag:$0x1] =	stream.indirect_vreg.gather [hbm4b:s1+s3], $0x80, v3, vm0, $0xb8;
	[tilespmem:$0x14180] =	vst v63  }
0x58: {  	_ =	swait.ge [sflag:s7], $0x5000  }
0x59: {  	[sflag:s7] =	ssyncset.done $0x0  }
0x5a: {  	[sflag:s7] =	ssyncadd.s32 $0xFFFFB000  }
0x5b: {  	v3 =	vld [tilespmem:$0x50];
	_ =	sdelay $0x4  }
0x5c: {  	v49 =	vshll.u32 v3, $0x1  }
0x5d: {  	v3 =	vand.u32 $0x7, v3;
	v4 =	vand.u32 $0xFFFFFFF0, v49  }
0x5e: {  	v3 =	vor.u32 v3, v4  }
0x5f: {  	v4 =	vperm.xlane v3, v0;
	_ =	sdelay $0x1  }
0x60: {  	v3 =	vperm.xlane v3, v2;
	v4 =	vadd.s32 v1, v4;
	_ =	sdelay $0x1  }
0x61: {  	v3 =	vadd.s32 v1, v3;
	_ =	sdelay $0x1  }
0x62: {  	s0 =	rddreg [dreg:$0xf]  }
0x63: {  	[tilespmem:s0], [sflag:$0x1] =	stream.indirect_vreg.gather [hbm4b:s1+s3], $0x80, v4, vm0, $0xb8;
	[tilespmem:$0x14180] =	vst v63  }
0x64: {  	s8 =	rddreg [dreg:$0x10]  }
0x65: {  	[tilespmem:s8], [sflag:$0x1] =	stream.indirect_vreg.gather [hbm4b:s1+s3], $0x80, v3, vm0, $0xb8;
	[tilespmem:$0x14180] =	vst v63  }
0x66: {  	v3 =	vld [tilespmem:$0x60];
	_ =	sdelay $0x4  }
0x67: {  	v50 =	vshll.u32 v3, $0x1  }
0x68: {  	v3 =	vand.u32 $0x7, v3;
	v4 =	vand.u32 $0xFFFFFFF0, v50  }
0x69: {  	v3 =	vor.u32 v3, v4  }
0x6a: {  	v4 =	vperm.xlane v3, v0;
	_ =	sdelay $0x1  }
0x6b: {  	v3 =	vperm.xlane v3, v2;
	v4 =	vadd.s32 v1, v4;
	_ =	sdelay $0x1  }
0x6c: {  	v3 =	vadd.s32 v1, v3;
	_ =	sdelay $0x1  }
0x6d: {  	s0 =	rddreg [dreg:$0x11]  }
0x6e: {  	[tilespmem:s0], [sflag:$0x1] =	stream.indirect_vreg.gather [hbm4b:s1+s3], $0x80, v4, vm0, $0xb8;
	[tilespmem:$0x14180] =	vst v63  }
0x6f: {  	s8 =	rddreg [dreg:$0x12]  }
0x70: {  	[tilespmem:s8], [sflag:$0x1] =	stream.indirect_vreg.gather [hbm4b:s1+s3], $0x80, v3, vm0, $0xb8;
	[tilespmem:$0x14180] =	vst v63  }
0x71: {  	v3 =	vld [tilespmem:$0x70];
	_ =	sdelay $0x4  }
0x72: {  	v51 =	vshll.u32 v3, $0x1  }
0x73: {  	v3 =	vand.u32 $0x7, v3;
	v4 =	vand.u32 $0xFFFFFFF0, v51  }
0x74: {  	v3 =	vor.u32 v3, v4  }
0x75: {  	v4 =	vperm.xlane v3, v0;
	_ =	sdelay $0x1  }
0x76: {  	v3 =	vperm.xlane v3, v2;
	v4 =	vadd.s32 v1, v4;
	_ =	sdelay $0x1  }
0x77: {  	v3 =	vadd.s32 v1, v3;
	_ =	sdelay $0x1  }
0x78: {  	s0 =	rddreg [dreg:$0x13]  }
0x79: {  	[tilespmem:s0], [sflag:$0x1] =	stream.indirect_vreg.gather [hbm4b:s1+s3], $0x80, v4, vm0, $0xb8;
	[tilespmem:$0x14180] =	vst v63  }
0x7a: {  	s8 =	rddreg [dreg:$0x14]  }
0x7b: {  	[tilespmem:s8], [sflag:$0x1] =	stream.indirect_vreg.gather [hbm4b:s1+s3], $0x80, v3, vm0, $0xb8;
	[tilespmem:$0x14180] =	vst v63  }
0x7c: {  	v3 =	vld [tilespmem:$0x80];
	_ =	sdelay $0x4  }
0x7d: {  	v52 =	vshll.u32 v3, $0x1  }
0x7e: {  	v3 =	vand.u32 $0x7, v3;
	v4 =	vand.u32 $0xFFFFFFF0, v52  }
0x7f: {  	v3 =	vor.u32 v3, v4  }
0x80: {  	v4 =	vperm.xlane v3, v0;
	_ =	sdelay $0x1  }
0x81: {  	v3 =	vperm.xlane v3, v2;
	v4 =	vadd.s32 v1, v4;
	_ =	sdelay $0x1  }
0x82: {  	v3 =	vadd.s32 v1, v3;
	_ =	sdelay $0x1  }
0x83: {  	s8 =	simm.s32 $0x8180  }
0x84: {  	[tilespmem:s8], [sflag:$0x1] =	stream.indirect_vreg.gather [hbm4b:s1+s3], $0x80, v4, vm0, $0xb8;
	[tilespmem:$0x14180] =	vst v63  }
0x85: {  	_ = 	snop  }
0x86: {  	[tilespmem:s9], [sflag:$0x1] =	stream.indirect_vreg.gather [hbm4b:s1+s3], $0x80, v3, vm0, $0xb8;
	[tilespmem:$0x14180] =	vst v63  }
0x87: {  	v3 =	vld [tilespmem:$0x90];
	_ =	sdelay $0x4  }
0x88: {  	v53 =	vshll.u32 v3, $0x1  }
0x89: {  	v3 =	vand.u32 $0x7, v3;
	v4 =	vand.u32 $0xFFFFFFF0, v53  }
0x8a: {  	v3 =	vor.u32 v3, v4  }
0x8b: {  	v4 =	vperm.xlane v3, v0;
	_ =	sdelay $0x1  }
0x8c: {  	v3 =	vperm.xlane v3, v2;
	v4 =	vadd.s32 v1, v4;
	_ =	sdelay $0x1  }
0x8d: {  	v3 =	vadd.s32 v1, v3;
	_ =	sdelay $0x2  }
0x8e: {  	[tilespmem:s10], [sflag:$0x1] =	stream.indirect_vreg.gather [hbm4b:s1+s3], $0x80, v4, vm0, $0xb8;
	[tilespmem:$0x14180] =	vst v63  }
0x8f: {  	_ = 	snop  }
0x90: {  	[tilespmem:s11], [sflag:$0x1] =	stream.indirect_vreg.gather [hbm4b:s1+s3], $0x80, v3, vm0, $0xb8;
	[tilespmem:$0x14180] =	vst v63  }
0x91: {  	_ =	swait.ge [sflag:s7], $0x5000  }
0x92: {  	[sflag:s7] =	ssyncset.done $0x0  }
0x93: {  	[sflag:s7] =	ssyncadd.s32 $0xFFFFB000  }
0x94: {  	v3 =	vld [tilespmem:$0xA0];
	_ =	sdelay $0x4  }
0x95: {  	v54 =	vshll.u32 v3, $0x1  }
0x96: {  	v3 =	vand.u32 $0x7, v3;
	v4 =	vand.u32 $0xFFFFFFF0, v54  }
0x97: {  	v3 =	vor.u32 v3, v4  }
0x98: {  	v4 =	vperm.xlane v3, v0;
	_ =	sdelay $0x1  }
0x99: {  	v3 =	vperm.xlane v3, v2;
	v4 =	vadd.s32 v1, v4;
	_ =	sdelay $0x1  }
0x9a: {  	v3 =	vadd.s32 v1, v3;
	_ =	sdelay $0x2  }
0x9b: {  	[tilespmem:s12], [sflag:$0x1] =	stream.indirect_vreg.gather [hbm4b:s1+s3], $0x80, v4, vm0, $0xb8;
	[tilespmem:$0x14180] =	vst v63  }
0x9c: {  	_ = 	snop  }
0x9d: {  	[tilespmem:s13], [sflag:$0x1] =	stream.indirect_vreg.gather [hbm4b:s1+s3], $0x80, v3, vm0, $0xb8;
	[tilespmem:$0x14180] =	vst v63  }
0x9e: {  	v3 =	vld [tilespmem:$0xB0];
	_ =	sdelay $0x4  }
0x9f: {  	v55 =	vshll.u32 v3, $0x1  }
0xa0: {  	v3 =	vand.u32 $0x7, v3;
	v4 =	vand.u32 $0xFFFFFFF0, v55  }
0xa1: {  	v3 =	vor.u32 v3, v4  }
0xa2: {  	v4 =	vperm.xlane v3, v0;
	_ =	sdelay $0x1  }
0xa3: {  	v3 =	vperm.xlane v3, v2;
	v4 =	vadd.s32 v1, v4;
	_ =	sdelay $0x1  }
0xa4: {  	v3 =	vadd.s32 v1, v3;
	_ =	sdelay $0x2  }
0xa5: {  	[tilespmem:s14], [sflag:$0x1] =	stream.indirect_vreg.gather [hbm4b:s1+s3], $0x80, v4, vm0, $0xb8;
	[tilespmem:$0x14180] =	vst v63  }
0xa6: {  	_ = 	snop  }
0xa7: {  	[tilespmem:s15], [sflag:$0x1] =	stream.indirect_vreg.gather [hbm4b:s1+s3], $0x80, v3, vm0, $0xb8;
	[tilespmem:$0x14180] =	vst v63  }
0xa8: {  	v3 =	vld [tilespmem:$0xC0];
	_ =	sdelay $0x4  }
0xa9: {  	v56 =	vshll.u32 v3, $0x1  }
0xaa: {  	v3 =	vand.u32 $0x7, v3;
	v4 =	vand.u32 $0xFFFFFFF0, v56  }
0xab: {  	v3 =	vor.u32 v3, v4  }
0xac: {  	v4 =	vperm.xlane v3, v0;
	_ =	sdelay $0x1  }
0xad: {  	v3 =	vperm.xlane v3, v2;
	v4 =	vadd.s32 v1, v4;
	_ =	sdelay $0x1  }
0xae: {  	v3 =	vadd.s32 v1, v3;
	_ =	sdelay $0x2  }
0xaf: {  	[tilespmem:s16], [sflag:$0x1] =	stream.indirect_vreg.gather [hbm4b:s1+s3], $0x80, v4, vm0, $0xb8;
	[tilespmem:$0x14180] =	vst v63  }
0xb0: {  	_ = 	snop  }
0xb1: {  	[tilespmem:s17], [sflag:$0x1] =	stream.indirect_vreg.gather [hbm4b:s1+s3], $0x80, v3, vm0, $0xb8;
	[tilespmem:$0x14180] =	vst v63  }
0xb2: {  	v3 =	vld [tilespmem:$0xD0];
	_ =	sdelay $0x4  }
0xb3: {  	v57 =	vshll.u32 v3, $0x1  }
0xb4: {  	v3 =	vand.u32 $0x7, v3;
	v4 =	vand.u32 $0xFFFFFFF0, v57  }
0xb5: {  	v3 =	vor.u32 v3, v4  }
0xb6: {  	v4 =	vperm.xlane v3, v0;
	_ =	sdelay $0x1  }
0xb7: {  	v3 =	vperm.xlane v3, v2;
	v4 =	vadd.s32 v1, v4;
	_ =	sdelay $0x1  }
0xb8: {  	v3 =	vadd.s32 v1, v3;
	_ =	sdelay $0x2  }
0xb9: {  	[tilespmem:s18], [sflag:$0x1] =	stream.indirect_vreg.gather [hbm4b:s1+s3], $0x80, v4, vm0, $0xb8;
	[tilespmem:$0x14180] =	vst v63  }
0xba: {  	_ = 	snop  }
0xbb: {  	[tilespmem:s19], [sflag:$0x1] =	stream.indirect_vreg.gather [hbm4b:s1+s3], $0x80, v3, vm0, $0xb8;
	[tilespmem:$0x14180] =	vst v63  }
0xbc: {  	v3 =	vld [tilespmem:$0xE0];
	_ =	sdelay $0x4  }
0xbd: {  	v58 =	vshll.u32 v3, $0x1  }
0xbe: {  	v3 =	vand.u32 $0x7, v3;
	v4 =	vand.u32 $0xFFFFFFF0, v58  }
0xbf: {  	v3 =	vor.u32 v3, v4  }
0xc0: {  	v4 =	vperm.xlane v3, v0;
	_ =	sdelay $0x1  }
0xc1: {  	v3 =	vperm.xlane v3, v2;
	v4 =	vadd.s32 v1, v4;
	_ =	sdelay $0x1  }
0xc2: {  	v3 =	vadd.s32 v1, v3;
	_ =	sdelay $0x2  }
0xc3: {  	[tilespmem:s20], [sflag:$0x1] =	stream.indirect_vreg.gather [hbm4b:s1+s3], $0x80, v4, vm0, $0xb8;
	[tilespmem:$0x14180] =	vst v63  }
0xc4: {  	_ = 	snop  }
0xc5: {  	[tilespmem:s21], [sflag:$0x1] =	stream.indirect_vreg.gather [hbm4b:s1+s3], $0x80, v3, vm0, $0xb8;
	[tilespmem:$0x14180] =	vst v63  }
0xc6: {  	_ =	swait.ge [sflag:s7], $0x5000  }
0xc7: {  	[sflag:s7] =	ssyncset.done $0x0  }
0xc8: {  	[sflag:s7] =	ssyncadd.s32 $0xFFFFB000  }
0xc9: {  	v3 =	vld [tilespmem:$0xF0];
	_ =	sdelay $0x4  }
0xca: {  	v59 =	vshll.u32 v3, $0x1  }
0xcb: {  	v3 =	vand.u32 $0x7, v3;
	v4 =	vand.u32 $0xFFFFFFF0, v59  }
0xcc: {  	v3 =	vor.u32 v3, v4  }
0xcd: {  	v4 =	vperm.xlane v3, v0;
	_ =	sdelay $0x1  }
0xce: {  	v3 =	vperm.xlane v3, v2;
	v4 =	vadd.s32 v1, v4;
	_ =	sdelay $0x1  }
0xcf: {  	v3 =	vadd.s32 v1, v3;
	_ =	sdelay $0x2  }
0xd0: {  	[tilespmem:s22], [sflag:$0x1] =	stream.indirect_vreg.gather [hbm4b:s1+s3], $0x80, v4, vm0, $0xb8;
	[tilespmem:$0x14180] =	vst v63  }
0xd1: {  	_ = 	snop  }
0xd2: {  	[tilespmem:s23], [sflag:$0x1] =	stream.indirect_vreg.gather [hbm4b:s1+s3], $0x80, v3, vm0, $0xb8;
	[tilespmem:$0x14180] =	vst v63  }
0xd3: {  	v3 =	vld [tilespmem:$0x100];
	_ =	sdelay $0x4  }
0xd4: {  	v60 =	vshll.u32 v3, $0x1  }
0xd5: {  	v3 =	vand.u32 $0x7, v3;
	v4 =	vand.u32 $0xFFFFFFF0, v60  }
0xd6: {  	v3 =	vor.u32 v3, v4  }
0xd7: {  	v4 =	vperm.xlane v3, v0;
	_ =	sdelay $0x1  }
0xd8: {  	v3 =	vperm.xlane v3, v2;
	v4 =	vadd.s32 v1, v4;
	_ =	sdelay $0x1  }
0xd9: {  	v3 =	vadd.s32 v1, v3;
	_ =	sdelay $0x2  }
0xda: {  	[tilespmem:s24], [sflag:$0x1] =	stream.indirect_vreg.gather [hbm4b:s1+s3], $0x80, v4, vm0, $0xb8;
	[tilespmem:$0x14180] =	vst v63  }
0xdb: {  	_ = 	snop  }
0xdc: {  	[tilespmem:s25], [sflag:$0x1] =	stream.indirect_vreg.gather [hbm4b:s1+s3], $0x80, v3, vm0, $0xb8;
	[tilespmem:$0x14180] =	vst v63  }
0xdd: {  	v3 =	vld [tilespmem:$0x110];
	_ =	sdelay $0x4  }
0xde: {  	v61 =	vshll.u32 v3, $0x1  }
0xdf: {  	v3 =	vand.u32 $0x7, v3;
	v4 =	vand.u32 $0xFFFFFFF0, v61  }
0xe0: {  	v3 =	vor.u32 v3, v4  }
0xe1: {  	v4 =	vperm.xlane v3, v0;
	_ =	sdelay $0x1  }
0xe2: {  	v3 =	vperm.xlane v3, v2;
	v4 =	vadd.s32 v1, v4;
	_ =	sdelay $0x1  }
0xe3: {  	v3 =	vadd.s32 v1, v3;
	_ =	sdelay $0x2  }
0xe4: {  	[tilespmem:s26], [sflag:$0x1] =	stream.indirect_vreg.gather [hbm4b:s1+s3], $0x80, v4, vm0, $0xb8;
	[tilespmem:$0x14180] =	vst v63  }
0xe5: {  	_ = 	snop  }
0xe6: {  	[tilespmem:s28], [sflag:$0x1] =	stream.indirect_vreg.gather [hbm4b:s1+s3], $0x80, v3, vm0, $0xb8;
	[tilespmem:$0x14180] =	vst v63  }
0xe7: {  	v3 =	vld [tilespmem:$0x120];
	_ =	sdelay $0x4  }
0xe8: {  	v62 =	vshll.u32 v3, $0x1  }
0xe9: {  	v3 =	vand.u32 $0x7, v3;
	v4 =	vand.u32 $0xFFFFFFF0, v62  }
0xea: {  	v3 =	vor.u32 v3, v4  }
0xeb: {  	v4 =	vperm.xlane v3, v0;
	_ =	sdelay $0x1  }
0xec: {  	v3 =	vperm.xlane v3, v2;
	v4 =	vadd.s32 v1, v4;
	_ =	sdelay $0x1  }
0xed: {  	v3 =	vadd.s32 v1, v3;
	_ =	sdelay $0x2  }
0xee: {  	[tilespmem:s29], [sflag:$0x1] =	stream.indirect_vreg.gather [hbm4b:s1+s3], $0x80, v4, vm0, $0xb8;
	[tilespmem:$0x14180] =	vst v63  }
0xef: {  	_ = 	snop  }
0xf0: {  	[tilespmem:s30], [sflag:$0x1] =	stream.indirect_vreg.gather [hbm4b:s1+s3], $0x80, v3, vm0, $0xb8;
	[tilespmem:$0x14180] =	vst v63  }
0xf1: {  	v3 =	vld [tilespmem:$0x130];
	_ =	sdelay $0x4  }
0xf2: {  	v63 =	vshll.u32 v3, $0x1  }
0xf3: {  	v3 =	vand.u32 $0x7, v3;
	v4 =	vand.u32 $0xFFFFFFF0, v63  }
0xf4: {  	v3 =	vor.u32 v3, v4  }
0xf5: {  	v4 =	vperm.xlane v3, v0;
	_ =	sdelay $0x1  }
0xf6: {  	v3 =	vperm.xlane v3, v2;
	v4 =	vadd.s32 v1, v4;
	_ =	sdelay $0x1  }
0xf7: {  	v3 =	vadd.s32 v1, v3;
	_ =	sdelay $0x2  }
0xf8: {  	[tilespmem:s31], [sflag:$0x1] =	stream.indirect_vreg.gather [hbm4b:s1+s3], $0x80, v4, vm0, $0xb8;
	[tilespmem:$0x14180] =	vst v63  }
0xf9: {  	_ = 	snop  }
0xfa: {  	[tilespmem:s2], [sflag:$0x1] =	stream.indirect_vreg.gather [hbm4b:s1+s3], $0x80, v3, vm0, $0xb8;
	[tilespmem:$0x14180] =	vst v63  }
0xfb: {  	_ =	swait.ge [sflag:s7], $0x5000  }
0xfc: {  	p0 =	sne.s32 s4, $0x1;
	[sflag:s7] =	ssyncset.done $0x0  }
.Ltmp0:
0xfd: {  	s8 =	rddreg [dreg:$0x5];
	[sflag:s7] =	ssyncadd.s32 $0xFFFFB000;
	(pc) =	sbr.rel @p0 .LBB2_1-.Ltmp0, $4  }
0xfe: {  	[hbm4b:s8+s3] =	stream.linear.scatter [tilespmem:s6], [sflag:$0x2], $0x14000, $0x38;
	[tilespmem:$0x14180] =	vst v63  }
0xff: {  	_ =	swait.ge [sflag:s5], $0x14000  }
0x100: {  	[sflag:s5] =	ssyncset.done $0x0  }
0x101: {  	s4 =	sadd.s32 $0xFFFFFFFF, s4;
	[sflag:s5] =	ssyncadd.s32 $0xFFFEC000  }
0x102: {  	_ =	sfence.sel $0x180000  }
0x103: {  	[bflag:$0x0] =	sbarrier.arrive $0xFFFF  }
0x104: {  	_ =	strace $0x90000047  }
0x105: {  	s0 =	stileid.u32;
	[bflag:$0x2] =	sbarrier.arrive $0xFFFF  }
0x106: {  	p0 =	sne.s32 s0, $0x0;
	s0 =	rddreg [dreg:$0x3]  }
0x107: {  	s0 =	sadd.s32 @!p0 $0x100000, s0  }
0x108: {  	[sflag:s0] =	ssyncadd.tile.s32 @!p0 $0x1;
	_ =	shalt  }
.Lfunc_end2:
_tile_overlayer_lowered:
.L_overlay_start_2:
0x109: {  	(tag) =	ssettag $0x2  }
0x10a: {  	s0 =	rddreg [dreg:$0x0];
	s2 =	stileid.u32  }
0x10b: {  	s1 =	rddreg [dreg:$0x1];
	p0 =	sne.s32 s2, $0x0  }
0x10c: {  	s3 =	rddreg [dreg:$0x2];
	[bflag:$0x3] =	sbarrier.arrive $0xFFFF;
	s2 =	simm.s32 @!p0 $0x1C02  }
0x10d: {  	[timem:s3], [sflag:s2] =	dma.local @!p0 [hbm:s0], s1  }
0x10e: {  	s0 =	simm.s32 @!p0 $0x2  }
0x10f: {  	_ =	swait.ge @!p0 [sflag:s0], s1  }
0x110: {  	s1 =	ssub.s32 @!p0 $0x0, s1;
	[sflag:s0] =	ssyncset.done @!p0 $0x0  }
0x111: {  	[sflag:s0] =	ssyncadd.s32 @!p0 s1  }
0x112: {  	[bflag:$0x3] =	sbarrier.arrive $0xFFFF  }
0x113: {  	_ =	shalt  }

</sc_bundles>
